<compile_context>
chip_gen: v7x
topology: tpu7x:2x2x1
jax: 0.10.2.dev20260603
libtpu: 0.0.44.dev20260713+nightly
codegen_flags: <defaults>
</compile_context>

<pallas_src>
import functools

import jax
import jax.numpy as jnp
from jax import lax
from jax.experimental import pallas as pl
from jax.experimental.pallas import tpu as pltpu
from jax.experimental.pallas import tpu_sc as plsc

N = 10000
D = 128
E = 320000

NC = 2
NS = 16
NW = NC * NS

K = 128
CH0 = 80
CH1 = 80
PG = 16
TOT_CHUNKS = NS * (CH0 + CH1)
EPAD = TOT_CHUNKS * K
CORE1_ROW = NS * CH0

ROWS_PER_TILE = 640
NSH = ROWS_PER_TILE * NS
CROWS = NSH // 16
CSTRIPE = CROWS // NS


def _linear_body(x_ref, w_ref, b_ref, y_ref):
    y_ref[...] = lax.dot_general(
        x_ref[...], w_ref[...], (((1,), (1,)), ((), ())),
        preferred_element_type=jnp.float32) + b_ref[...]


def _linear(x, w, b2):
    blk = 1000
    return pl.pallas_call(
        _linear_body,
        grid=(N // blk,),
        in_specs=[
            pl.BlockSpec((blk, D), lambda i: (i, 0)),
            pl.BlockSpec((D, D), lambda i: (0, 0)),
            pl.BlockSpec((1, D), lambda i: (0, 0)),
        ],
        out_specs=pl.BlockSpec((blk, D), lambda i: (i, 0)),
        out_shape=jax.ShapeDtypeStruct((N, D), jnp.float32),
    )(x, w, b2)


def _sc_body(y_hbm, src_hbm, dst_hbm, zrow_hbm, zcnt_hbm, iota_hbm,
             agg_out, cnt_out,
             src_pg, dst_pg, rows_a, rows_b, cnt_loc, iota_v, agg_sh, cnt_sh,
             gsem_a, gsem_b, ssem_a, ssem_b, csem):
    c = lax.axis_index("c")
    s = lax.axis_index("s")
    pltpu.sync_copy(zrow_hbm, agg_sh.at[pl.ds(s * ROWS_PER_TILE, ROWS_PER_TILE)])
    pltpu.sync_copy(zcnt_hbm.at[pl.ds(0, CSTRIPE)],
                    cnt_sh.at[pl.ds(s * CSTRIPE, CSTRIPE)])
    pltpu.sync_copy(zcnt_hbm, cnt_loc)
    pltpu.sync_copy(iota_hbm, iota_v)
    plsc.subcore_barrier()

    ones16 = jnp.ones((16,), jnp.float32)

    row0 = jnp.where(c == 0, s * CH0, CORE1_ROW + s * CH1)
    npages = jnp.where(c == 0, CH0 // PG, CH1 // PG)

    def count(j):
        def cbody(i, carry):
            d = dst_pg[j, pl.ds(i * 16, 16)]
            r = lax.shift_right_logical(d, 4)
            col = lax.bitwise_and(d, 15)
            plsc.addupdate_scatter(cnt_loc, [r, col], ones16)
            return carry

        lax.fori_loop(0, K // 16, cbody, 0)

    def g_start(buf, sem, j):
        pltpu.async_copy(y_hbm.at[src_pg.at[j]], buf, sem)

    def g_wait(buf, sem, j):
        pltpu.make_async_copy(y_hbm.at[src_pg.at[j]], buf, sem).wait()

    def s_start(buf, sem, j):
        pltpu.async_copy(buf, agg_sh.at[dst_pg.at[j]], sem, add=True)

    def s_wait(buf, sem, j):
        pltpu.make_async_copy(buf, agg_sh.at[dst_pg.at[j]], sem).wait()

    def page(p, carry):
        base = row0 + p * PG
        pltpu.sync_copy(src_hbm.at[pl.ds(base, PG)], src_pg)
        pltpu.sync_copy(dst_hbm.at[pl.ds(base, PG)], dst_pg)
        g_start(rows_a, gsem_a, 0)

        def pairb(i, carry2):
            j = 2 * i

            @pl.when(i > 0)
            def _():
                s_wait(rows_b, ssem_b, j - 1)

            g_start(rows_b, gsem_b, j + 1)
            count(j)
            g_wait(rows_a, gsem_a, j)
            s_start(rows_a, ssem_a, j)
            count(j + 1)
            g_wait(rows_b, gsem_b, j + 1)
            s_start(rows_b, ssem_b, j + 1)
            s_wait(rows_a, ssem_a, j)

            @pl.when(i < PG // 2 - 1)
            def _():
                g_start(rows_a, gsem_a, j + 2)

            return carry2

        lax.fori_loop(0, PG // 2, pairb, 0)
        s_wait(rows_b, ssem_b, PG - 1)
        return carry

    lax.fori_loop(0, npages, page, 0)

    for t in range(CROWS // 128):
        pltpu.async_copy(cnt_loc.at[pl.ds(t * 128, 128)],
                         cnt_sh.at[iota_v.at[t]], csem, add=True)
    for t in range(CROWS // 128):
        pltpu.make_async_copy(cnt_loc.at[pl.ds(t * 128, 128)],
                              cnt_sh.at[iota_v.at[t]], csem).wait()
    plsc.subcore_barrier()

    pltpu.sync_copy(agg_sh.at[pl.ds(s * ROWS_PER_TILE, ROWS_PER_TILE)],
                    agg_out.at[c, pl.ds(s * ROWS_PER_TILE, ROWS_PER_TILE)])
    pltpu.sync_copy(cnt_sh.at[pl.ds(s * CSTRIPE, CSTRIPE)],
                    cnt_out.at[c, pl.ds(s * CSTRIPE, CSTRIPE)])


def _sc_scatter(y, src_r, dst_r, zrow, zcnt, iota_r):
    mesh = plsc.VectorSubcoreMesh(core_axis_name="c", subcore_axis_name="s")
    fn = pl.kernel(
        _sc_body,
        out_type=(
            jax.ShapeDtypeStruct((NC, NSH, D), jnp.float32),
            jax.ShapeDtypeStruct((NC, CROWS, 16), jnp.float32),
        ),
        mesh=mesh,
        scratch_types=[
            pltpu.VMEM((PG, K), jnp.int32),
            pltpu.VMEM((PG, K), jnp.int32),
            pltpu.VMEM((K, D), jnp.float32),
            pltpu.VMEM((K, D), jnp.float32),
            pltpu.VMEM((CROWS, 16), jnp.float32),
            pltpu.VMEM((CROWS // 128, 128), jnp.int32),
            pltpu.VMEM_SHARED((NSH, D), jnp.float32),
            pltpu.VMEM_SHARED((CROWS, 16), jnp.float32),
            pltpu.SemaphoreType.DMA,
            pltpu.SemaphoreType.DMA,
            pltpu.SemaphoreType.DMA,
            pltpu.SemaphoreType.DMA,
            pltpu.SemaphoreType.DMA,
        ],
        compiler_params=pltpu.CompilerParams(use_tc_tiling_on_sc=False,
                                             needs_layout_passes=False),
    )
    return fn(y, src_r, dst_r, zrow, zcnt, iota_r)


def _gru_body(x_ref, y_ref, part_ref, cnt_ref, w_ref, b_ref,
              wih_ref, whh_ref, bih_ref, bhh_ref, out_ref):
    y = y_ref[...]
    aggx = part_ref[0] + part_ref[1] + x_ref[...]
    cnt = cnt_ref[0] + cnt_ref[1] + 1.0
    dn = (((1,), (1,)), ((), ()))
    h = lax.dot_general(aggx / cnt, w_ref[...], dn,
                        preferred_element_type=jnp.float32) + b_ref[...]

    w_ih = wih_ref[...]
    w_hh = whh_ref[...]
    b_ih = bih_ref[...]
    b_hh = bhh_ref[...]

    gi1 = lax.dot_general(h, w_ih, dn, preferred_element_type=jnp.float32) + b_ih
    z1 = jax.nn.sigmoid(gi1[:, 128:256] + b_hh[:, 128:256])
    r1 = jax.nn.sigmoid(gi1[:, 0:128] + b_hh[:, 0:128])
    n1 = jnp.tanh(gi1[:, 256:384] + r1 * b_hh[:, 256:384])
    h1 = (1.0 - z1) * n1
    gi2 = lax.dot_general(y, w_ih, dn, preferred_element_type=jnp.float32) + b_ih
    gh2 = lax.dot_general(h1, w_hh, dn, preferred_element_type=jnp.float32) + b_hh
    r2 = jax.nn.sigmoid(gi2[:, 0:128] + gh2[:, 0:128])
    z2 = jax.nn.sigmoid(gi2[:, 128:256] + gh2[:, 128:256])
    n2 = jnp.tanh(gi2[:, 256:384] + r2 * gh2[:, 256:384])
    out_ref[...] = (1.0 - z2) * n2 + z2 * h1


def _mean_gru(x, y, part, cntp, w, b2, w_ih, w_hh, b_ih2, b_hh2):
    blk = 1024
    grid = -(-N // blk)
    return pl.pallas_call(
        _gru_body,
        grid=(grid,),
        in_specs=[
            pl.BlockSpec((blk, D), lambda i: (i, 0)),
            pl.BlockSpec((blk, D), lambda i: (i, 0)),
            pl.BlockSpec((NC, blk, D), lambda i: (0, i, 0)),
            pl.BlockSpec((NC, blk, 1), lambda i: (0, i, 0)),
            pl.BlockSpec((D, D), lambda i: (0, 0)),
            pl.BlockSpec((1, D), lambda i: (0, 0)),
            pl.BlockSpec((3 * D, D), lambda i: (0, 0)),
            pl.BlockSpec((3 * D, D), lambda i: (0, 0)),
            pl.BlockSpec((1, 3 * D), lambda i: (0, 0)),
            pl.BlockSpec((1, 3 * D), lambda i: (0, 0)),
        ],
        out_specs=pl.BlockSpec((blk, D), lambda i: (i, 0)),
        out_shape=jax.ShapeDtypeStruct((N, D), jnp.float32),
    )(x, y, part, cntp, w, b2, w_ih, w_hh, b_ih2, b_hh2)


def kernel(x, edge_index, W, b, W_ih, W_hh, b_ih, b_hh):
    src = edge_index[0].astype(jnp.int32)
    dst = edge_index[1].astype(jnp.int32)
    pad = EPAD - E
    pad_src = jnp.arange(pad, dtype=jnp.int32) % N
    src_r = jnp.concatenate([src, pad_src]).reshape(TOT_CHUNKS, K)
    pad_dst = N + (jnp.arange(pad, dtype=jnp.int32) % (NSH - N))
    dst_r = jnp.concatenate([dst, pad_dst]).reshape(TOT_CHUNKS, K)

    zrow = jnp.zeros((ROWS_PER_TILE, D), jnp.float32)
    zcnt = jnp.zeros((CROWS, 16), jnp.float32)
    iota_r = jnp.arange(CROWS, dtype=jnp.int32).reshape(CROWS // 128, 128)

    part, cntp = _sc_scatter(x, src_r, dst_r, zrow, zcnt, iota_r)
    y = _linear(x, W, b.reshape(1, D))
    cntp = cntp.reshape(NC, NSH, 1)
    return _mean_gru(x, y, part, cntp, W, b.reshape(1, D), W_ih, W_hh,
                     b_ih.reshape(1, 3 * D), b_hh.reshape(1, 3 * D))

# --- scband reference (transcript-rebuilt; emitter-appended) ---
"""Pipeline reference for scband-slu-gnn-62405874811574 (READ-ONLY COPY).

The authoritative reference and input builder live on the scoring server;
editing this copy changes nothing except your own understanding.
"""

import jax, jax.numpy as jnp
import numpy as np

N_NODES = 10000
N_EDGES = 320000
D_IN = 128
D_OUT = 128


def setup_inputs(seed: int = 0) -> dict:
    key = jax.random.key(seed)
    ks = jax.random.split(key, 8)
    x = jax.random.normal(ks[0], (N_NODES, D_IN), dtype=jnp.float32)
    edge_index = jax.random.randint(ks[1], (2, N_EDGES), 0, N_NODES, dtype=jnp.int64)
    # nn.Linear(in_channels, out_channels): W [out, in], b [out]
    W = jax.random.normal(ks[2], (D_OUT, D_IN), dtype=jnp.float32) * (1.0 / np.sqrt(D_IN))
    b = jax.random.normal(ks[3], (D_OUT,), dtype=jnp.float32) * 0.01
    # nn.GRU(out, out): W_ih [3H, H], W_hh [3H, H], b_ih [3H], b_hh [3H]
    W_ih = jax.random.normal(ks[4], (3 * D_OUT, D_OUT), dtype=jnp.float32) * (1.0 / np.sqrt(D_OUT))
    W_hh = jax.random.normal(ks[5], (3 * D_OUT, D_OUT), dtype=jnp.float32) * (1.0 / np.sqrt(D_OUT))
    b_ih = jax.random.normal(ks[6], (3 * D_OUT,), dtype=jnp.float32) * 0.01
    b_hh = jax.random.normal(ks[7], (3 * D_OUT,), dtype=jnp.float32) * 0.01
    return {"x": x, "edge_index": edge_index, "W": W, "b": b, "W_ih": W_ih, "W_hh": W_hh, "b_ih": b_ih, "b_hh": b_hh}


def _gru_cell(h_prev, inp, W_ih, W_hh, b_ih, b_hh):
    gi = inp @ W_ih.T + b_ih
    gh = h_prev @ W_hh.T + b_hh
    i_r, i_z, i_n = jnp.split(gi, 3, axis=-1)
    h_r, h_z, h_n = jnp.split(gh, 3, axis=-1)
    r = jax.nn.sigmoid(i_r + h_r)
    z = jax.nn.sigmoid(i_z + h_z)
    n = jnp.tanh(i_n + r * h_n)
    return (1.0 - z) * n + z * h_prev


def reference(x, edge_index, W, b, W_ih, W_hh, b_ih, b_hh):
    N = x.shape[0]
    # add_self_loops
    loop = jnp.arange(N, dtype=edge_index.dtype)
    src = jnp.concatenate([edge_index[0], loop])
    dst = jnp.concatenate([edge_index[1], loop])
    # message: Linear(x_j) on source nodes (gather + dense)
    msg = x[src] @ W.T + b
    # aggr='mean': scatter-add then normalize by in-degree
    agg_sum = jax.ops.segment_sum(msg, dst, num_segments=N)
    cnt = jax.ops.segment_sum(jnp.ones((src.shape[0],), dtype=jnp.float32), dst, num_segments=N)
    h = agg_sum / jnp.maximum(cnt, 1.0)[:, None]
    # update: x = Linear(x); GRU over stacked [h, x] with h0 = 0; return final hidden
    x_lin = x @ W.T + b
    h0 = jnp.zeros_like(h)
    h1 = _gru_cell(h0, h, W_ih, W_hh, b_ih, b_hh)
    h2 = _gru_cell(h1, x_lin, W_ih, W_hh, b_ih, b_hh)
    return h2

if __name__ == "__main__":
    import jax
    _d = setup_inputs()
    print(jax.jit(kernel)(*tuple(_d.values())))

</pallas_src>

<mosaic_0001>
#map = affine_map<(d0, d1) -> (0, 0)>
#map1 = affine_map<(d0, d1) -> (0, 0, 0)>
module attributes {stable_mosaic.version = 14 : i64} {
  func.func @_sc_body(%arg0: i32, %arg1: i32, %arg2: memref<10000x128xf32, #tpu.memory_space<hbm>>, %arg3: memref<2560x128xi32, #tpu.memory_space<hbm>>, %arg4: memref<2560x128xi32, #tpu.memory_space<hbm>>, %arg5: memref<640x128xf32, #tpu.memory_space<hbm>>, %arg6: memref<640x16xf32, #tpu.memory_space<hbm>>, %arg7: memref<5x128xi32, #tpu.memory_space<hbm>>, %arg8: memref<2x10240x128xf32, #tpu.memory_space<hbm>>, %arg9: memref<2x640x16xf32, #tpu.memory_space<hbm>>, %arg10: memref<16x128xi32, #tpu.memory_space<vmem>>, %arg11: memref<16x128xi32, #tpu.memory_space<vmem>>, %arg12: memref<128x128xf32, #tpu.memory_space<vmem>>, %arg13: memref<128x128xf32, #tpu.memory_space<vmem>>, %arg14: memref<640x16xf32, #tpu.memory_space<vmem>>, %arg15: memref<5x128xi32, #tpu.memory_space<vmem>>, %arg16: memref<10240x128xf32, #tpu.memory_space<vmem_shared>>, %arg17: memref<640x16xf32, #tpu.memory_space<vmem_shared>>, %arg18: memref<!tpu.dma_semaphore, #tpu.memory_space<semaphore_mem>>, %arg19: memref<!tpu.dma_semaphore, #tpu.memory_space<semaphore_mem>>, %arg20: memref<!tpu.dma_semaphore, #tpu.memory_space<semaphore_mem>>, %arg21: memref<!tpu.dma_semaphore, #tpu.memory_space<semaphore_mem>>, %arg22: memref<!tpu.dma_semaphore, #tpu.memory_space<semaphore_mem>>) attributes {dimension_semantics = [#tpu.dimension_semantics<core_parallel>, #tpu.dimension_semantics<subcore_parallel>], iteration_bounds = array<i64: 2, 16>, scalar_prefetch = 0 : i64, scratch_operands = 13 : i64, tpu.core_type = #tpu.core_type<sc_vector_subcore>, window_params = [{transform_indices = #map}, {transform_indices = #map}, {transform_indices = #map}, {transform_indices = #map}, {transform_indices = #map}, {transform_indices = #map}, {transform_indices = #map1}, {transform_indices = #map1}]} {
    %mul3A = arith.constant 640 : i32
    %mul3A_0 = arith.muli %arg1, %mul3A : i32
    "tpu.region"() ({
      %run_scoped3A = tpu.sem_alloc : memref<!tpu.dma_semaphore, #tpu.memory_space<semaphore_mem>>
      %dma_start3A_130 = arith.constant 0 : i32
      %dma_start3A_131 = tpu.memref_slice %arg16[%mul3A_0, %dma_start3A_130] : memref<10240x128xf32, #tpu.memory_space<vmem_shared>> -> memref<640x128xf32, #tpu.memory_space<vmem_shared>>
      tpu.enqueue_dma source(%arg5 : memref<640x128xf32, #tpu.memory_space<hbm>>) target(%dma_start3A_131 : memref<640x128xf32, #tpu.memory_space<vmem_shared>>) target_semaphore(%run_scoped3A : memref<!tpu.dma_semaphore, #tpu.memory_space<semaphore_mem>>)
      %dma_wait3A_132 = arith.constant 0 : i32
      %dma_wait3A_133 = tpu.memref_slice %arg16[%mul3A_0, %dma_wait3A_132] : memref<10240x128xf32, #tpu.memory_space<vmem_shared>> -> memref<640x128xf32, #tpu.memory_space<vmem_shared>>
      tpu.wait_dma2 semaphore(%run_scoped3A : memref<!tpu.dma_semaphore, #tpu.memory_space<semaphore_mem>>) src(%arg5 : memref<640x128xf32, #tpu.memory_space<hbm>>) dst(%dma_wait3A_133 : memref<640x128xf32, #tpu.memory_space<vmem_shared>>)
      tpu.yield
    }) : () -> ()
    %mul3A_1 = arith.constant 40 : i32
    %mul3A_2 = arith.muli %arg1, %mul3A_1 : i32
    "tpu.region"() ({
      %run_scoped3A = tpu.sem_alloc : memref<!tpu.dma_semaphore, #tpu.memory_space<semaphore_mem>>
      %dma_start3A_130 = arith.constant 0 : i32
      %dma_start3A_131 = tpu.memref_slice %arg17[%mul3A_2, %dma_start3A_130] : memref<640x16xf32, #tpu.memory_space<vmem_shared>> -> memref<40x16xf32, #tpu.memory_space<vmem_shared>>
      %dma_start3A_132 = arith.constant 0 : i32
      %dma_start3A_133 = arith.constant 0 : i32
      %dma_start3A_134 = tpu.memref_slice %arg6[%dma_start3A_132, %dma_start3A_133] : memref<640x16xf32, #tpu.memory_space<hbm>> -> memref<40x16xf32, #tpu.memory_space<hbm>>
      tpu.enqueue_dma source(%dma_start3A_134 : memref<40x16xf32, #tpu.memory_space<hbm>>) target(%dma_start3A_131 : memref<40x16xf32, #tpu.memory_space<vmem_shared>>) target_semaphore(%run_scoped3A : memref<!tpu.dma_semaphore, #tpu.memory_space<semaphore_mem>>)
      %dma_wait3A_135 = arith.constant 0 : i32
      %dma_wait3A_136 = tpu.memref_slice %arg17[%mul3A_2, %dma_wait3A_135] : memref<640x16xf32, #tpu.memory_space<vmem_shared>> -> memref<40x16xf32, #tpu.memory_space<vmem_shared>>
      %dma_wait3A_137 = arith.constant 0 : i32
      %dma_wait3A_138 = arith.constant 0 : i32
      %dma_wait3A_139 = tpu.memref_slice %arg6[%dma_wait3A_137, %dma_wait3A_138] : memref<640x16xf32, #tpu.memory_space<hbm>> -> memref<40x16xf32, #tpu.memory_space<hbm>>
      tpu.wait_dma2 semaphore(%run_scoped3A : memref<!tpu.dma_semaphore, #tpu.memory_space<semaphore_mem>>) src(%dma_wait3A_139 : memref<40x16xf32, #tpu.memory_space<hbm>>) dst(%dma_wait3A_136 : memref<40x16xf32, #tpu.memory_space<vmem_shared>>)
      tpu.yield
    }) : () -> ()
    "tpu.region"() ({
      %run_scoped3A = tpu.sem_alloc : memref<!tpu.dma_semaphore, #tpu.memory_space<semaphore_mem>>
      tpu.enqueue_dma source(%arg6 : memref<640x16xf32, #tpu.memory_space<hbm>>) target(%arg14 : memref<640x16xf32, #tpu.memory_space<vmem>>) target_semaphore(%run_scoped3A : memref<!tpu.dma_semaphore, #tpu.memory_space<semaphore_mem>>)
      tpu.wait_dma2 semaphore(%run_scoped3A : memref<!tpu.dma_semaphore, #tpu.memory_space<semaphore_mem>>) src(%arg6 : memref<640x16xf32, #tpu.memory_space<hbm>>) dst(%arg14 : memref<640x16xf32, #tpu.memory_space<vmem>>)
      tpu.yield
    }) : () -> ()
    "tpu.region"() ({
      %run_scoped3A = tpu.sem_alloc : memref<!tpu.dma_semaphore, #tpu.memory_space<semaphore_mem>>
      tpu.enqueue_dma source(%arg7 : memref<5x128xi32, #tpu.memory_space<hbm>>) target(%arg15 : memref<5x128xi32, #tpu.memory_space<vmem>>) target_semaphore(%run_scoped3A : memref<!tpu.dma_semaphore, #tpu.memory_space<semaphore_mem>>)
      tpu.wait_dma2 semaphore(%run_scoped3A : memref<!tpu.dma_semaphore, #tpu.memory_space<semaphore_mem>>) src(%arg7 : memref<5x128xi32, #tpu.memory_space<hbm>>) dst(%arg15 : memref<5x128xi32, #tpu.memory_space<vmem>>)
      tpu.yield
    }) : () -> ()
    %barrier3A = arith.constant 0 : index
    tpu.barrier barrier_id(%barrier3A)
    %broadcast_in_dim3A = arith.constant 1.000000e+00 : f32
    %broadcast_in_dim3A_3 = vector.broadcast %broadcast_in_dim3A : f32 to vector<16xf32>
    %eq3A = arith.constant 0 : i32
    %eq3A_4 = arith.cmpi eq, %arg0, %eq3A : i32
    %mul3A_5 = arith.constant 80 : i32
    %mul3A_6 = arith.muli %arg1, %mul3A_5 : i32
    %mul3A_7 = arith.constant 80 : i32
    %mul3A_8 = arith.muli %arg1, %mul3A_7 : i32
    %add3A = arith.constant 1280 : i32
    %add3A_9 = arith.addi %add3A, %mul3A_8 : i32
    %select_n3A = arith.select %eq3A_4, %mul3A_6, %add3A_9 : i32
    %eq3A_10 = arith.constant 0 : i32
    %eq3A_11 = arith.cmpi eq, %arg0, %eq3A_10 : i32
    %jit3A = arith.constant 5 : i32
    %jit3A_12 = arith.constant 5 : i32
    %select_n3A_13 = arith.select %eq3A_11, %jit3A, %jit3A_12 : i32
    %while3A = arith.constant 0 : i32
    %while3A_14 = arith.constant 0 : i32
    %while3A_15 = arith.subi %select_n3A_13, %while3A_14 : i32
    %while3A_16 = arith.addi %while3A_14, %while3A_15 : i32
    %while3A_17 = arith.constant 1 : i32
    %while3A_18 = arith.divsi %while3A_15, %while3A_17 : i32
    %while3A_19 = arith.muli %while3A_18, %while3A_17 : i32
    %while3A_20 = arith.addi %while3A_14, %while3A_19 : i32
    %while3A_21 = arith.constant 1 : i32
    scf.for %while3A_130 = %while3A_14 to %while3A_20 step %while3A_21  : i32 {
      %mul3A_131 = arith.constant 16 : i32
      %mul3A_132 = arith.muli %while3A_130, %mul3A_131 : i32
      %add3A_133 = arith.addi %select_n3A, %mul3A_132 : i32
      "tpu.region"() ({
        %run_scoped3A = tpu.sem_alloc : memref<!tpu.dma_semaphore, #tpu.memory_space<semaphore_mem>>
        %dma_start3A_153 = arith.constant 0 : i32
        %dma_start3A_154 = tpu.memref_slice %arg3[%add3A_133, %dma_start3A_153] : memref<2560x128xi32, #tpu.memory_space<hbm>> -> memref<16x128xi32, #tpu.memory_space<hbm>>
        %dma_start3A_155 = arith.constant 0 : i32
        %dma_start3A_156 = tpu.memref_slice %arg3[%add3A_133, %dma_start3A_155] : memref<2560x128xi32, #tpu.memory_space<hbm>> -> memref<16x128xi32, #tpu.memory_space<hbm>>
        tpu.enqueue_dma source(%dma_start3A_156 : memref<16x128xi32, #tpu.memory_space<hbm>>) target(%arg10 : memref<16x128xi32, #tpu.memory_space<vmem>>) target_semaphore(%run_scoped3A : memref<!tpu.dma_semaphore, #tpu.memory_space<semaphore_mem>>)
        %dma_wait3A_157 = arith.constant 0 : i32
        %dma_wait3A_158 = tpu.memref_slice %arg3[%add3A_133, %dma_wait3A_157] : memref<2560x128xi32, #tpu.memory_space<hbm>> -> memref<16x128xi32, #tpu.memory_space<hbm>>
        %dma_wait3A_159 = arith.constant 0 : i32
        %dma_wait3A_160 = tpu.memref_slice %arg3[%add3A_133, %dma_wait3A_159] : memref<2560x128xi32, #tpu.memory_space<hbm>> -> memref<16x128xi32, #tpu.memory_space<hbm>>
        tpu.wait_dma2 semaphore(%run_scoped3A : memref<!tpu.dma_semaphore, #tpu.memory_space<semaphore_mem>>) src(%dma_wait3A_160 : memref<16x128xi32, #tpu.memory_space<hbm>>) dst(%arg10 : memref<16x128xi32, #tpu.memory_space<vmem>>)
        tpu.yield
      }) : () -> ()
      "tpu.region"() ({
        %run_scoped3A = tpu.sem_alloc : memref<!tpu.dma_semaphore, #tpu.memory_space<semaphore_mem>>
        %dma_start3A_153 = arith.constant 0 : i32
        %dma_start3A_154 = tpu.memref_slice %arg4[%add3A_133, %dma_start3A_153] : memref<2560x128xi32, #tpu.memory_space<hbm>> -> memref<16x128xi32, #tpu.memory_space<hbm>>
        %dma_start3A_155 = arith.constant 0 : i32
        %dma_start3A_156 = tpu.memref_slice %arg4[%add3A_133, %dma_start3A_155] : memref<2560x128xi32, #tpu.memory_space<hbm>> -> memref<16x128xi32, #tpu.memory_space<hbm>>
        tpu.enqueue_dma source(%dma_start3A_156 : memref<16x128xi32, #tpu.memory_space<hbm>>) target(%arg11 : memref<16x128xi32, #tpu.memory_space<vmem>>) target_semaphore(%run_scoped3A : memref<!tpu.dma_semaphore, #tpu.memory_space<semaphore_mem>>)
        %dma_wait3A_157 = arith.constant 0 : i32
        %dma_wait3A_158 = tpu.memref_slice %arg4[%add3A_133, %dma_wait3A_157] : memref<2560x128xi32, #tpu.memory_space<hbm>> -> memref<16x128xi32, #tpu.memory_space<hbm>>
        %dma_wait3A_159 = arith.constant 0 : i32
        %dma_wait3A_160 = tpu.memref_slice %arg4[%add3A_133, %dma_wait3A_159] : memref<2560x128xi32, #tpu.memory_space<hbm>> -> memref<16x128xi32, #tpu.memory_space<hbm>>
        tpu.wait_dma2 semaphore(%run_scoped3A : memref<!tpu.dma_semaphore, #tpu.memory_space<semaphore_mem>>) src(%dma_wait3A_160 : memref<16x128xi32, #tpu.memory_space<hbm>>) dst(%arg11 : memref<16x128xi32, #tpu.memory_space<vmem>>)
        tpu.yield
      }) : () -> ()
      %dma_start3A_134 = arith.constant 0 : i32
      %dma_start3A_135 = arith.constant 0 : i32
      %dma_start3A_136 = tpu.memref_slice %arg10[%dma_start3A_134, %dma_start3A_135] : memref<16x128xi32, #tpu.memory_space<vmem>> -> memref<1x128xi32, #tpu.memory_space<vmem>>
      %dma_start3A_137 = tpu.memref_squeeze %dma_start3A_136 : memref<1x128xi32, #tpu.memory_space<vmem>> -> memref<128xi32, #tpu.memory_space<vmem>>
      %dma_start3A_138 = arith.constant 0 : i32
      %dma_start3A_139 = arith.constant 0 : i32
      %dma_start3A_140 = tpu.memref_slice %arg2[%dma_start3A_138, %dma_start3A_139] : memref<10000x128xf32, #tpu.memory_space<hbm>> -> memref<10000x128xf32, #tpu.memory_space<hbm>>
      tpu.enqueue_indirect_dma source(%dma_start3A_140 : memref<10000x128xf32, #tpu.memory_space<hbm>>) target(%arg12 : memref<128x128xf32, #tpu.memory_space<vmem>>) offsets(%dma_start3A_137 : memref<128xi32, #tpu.memory_space<vmem>>) semaphore(%arg18 : memref<!tpu.dma_semaphore, #tpu.memory_space<semaphore_mem>>)
      %scan3A = arith.constant 0 : i32
      %scan3A_141 = arith.constant 0 : i32
      %scan3A_142 = arith.constant 8 : i32
      %scan3A_143 = arith.addi %scan3A_141, %scan3A_142 : i32
      %scan3A_144 = arith.constant 1 : i32
      scf.for %scan3A_153 = %scan3A_141 to %scan3A_143 step %scan3A_144  : i32 {
        %mul3A_154 = arith.constant 2 : i32
        %mul3A_155 = arith.muli %mul3A_154, %scan3A_153 : i32
        %gt3A = arith.constant 0 : i32
        %gt3A_156 = arith.cmpi sgt, %scan3A_153, %gt3A : i32
        %convert_element_type3A = arith.extui %gt3A_156 : i1 to i32
        %cond3A = arith.constant 0 : i32
        %cond3A_157 = arith.cmpi ne, %convert_element_type3A, %cond3A : i32
        scf.if %cond3A_157 {
          %sub3A = arith.constant 1 : i32
          %sub3A_218 = arith.subi %mul3A_155, %sub3A : i32
          %dma_wait3A_219 = arith.constant 0 : i32
          %dma_wait3A_220 = tpu.memref_slice %arg11[%sub3A_218, %dma_wait3A_219] : memref<16x128xi32, #tpu.memory_space<vmem>> -> memref<1x128xi32, #tpu.memory_space<vmem>>
          %dma_wait3A_221 = tpu.memref_squeeze %dma_wait3A_220 : memref<1x128xi32, #tpu.memory_space<vmem>> -> memref<128xi32, #tpu.memory_space<vmem>>
          %dma_wait3A_222 = arith.constant 0 : i32
          %dma_wait3A_223 = arith.constant 0 : i32
          %dma_wait3A_224 = tpu.memref_slice %arg16[%dma_wait3A_222, %dma_wait3A_223] : memref<10240x128xf32, #tpu.memory_space<vmem_shared>> -> memref<10240x128xf32, #tpu.memory_space<vmem_shared>>
          tpu.wait_indirect_dma semaphore(%arg21 : memref<!tpu.dma_semaphore, #tpu.memory_space<semaphore_mem>>) src(%arg13 : memref<128x128xf32, #tpu.memory_space<vmem>>) dst(%dma_wait3A_224 : memref<10240x128xf32, #tpu.memory_space<vmem_shared>>)
        } else {
        }
        %add3A_158 = arith.constant 1 : i32
        %add3A_159 = arith.addi %mul3A_155, %add3A_158 : i32
        %dma_start3A_160 = arith.constant 0 : i32
        %dma_start3A_161 = tpu.memref_slice %arg10[%add3A_159, %dma_start3A_160] : memref<16x128xi32, #tpu.memory_space<vmem>> -> memref<1x128xi32, #tpu.memory_space<vmem>>
        %dma_start3A_162 = tpu.memref_squeeze %dma_start3A_161 : memref<1x128xi32, #tpu.memory_space<vmem>> -> memref<128xi32, #tpu.memory_space<vmem>>
        %dma_start3A_163 = arith.constant 0 : i32
        %dma_start3A_164 = arith.constant 0 : i32
        %dma_start3A_165 = tpu.memref_slice %arg2[%dma_start3A_163, %dma_start3A_164] : memref<10000x128xf32, #tpu.memory_space<hbm>> -> memref<10000x128xf32, #tpu.memory_space<hbm>>
        tpu.enqueue_indirect_dma source(%dma_start3A_165 : memref<10000x128xf32, #tpu.memory_space<hbm>>) target(%arg13 : memref<128x128xf32, #tpu.memory_space<vmem>>) offsets(%dma_start3A_162 : memref<128xi32, #tpu.memory_space<vmem>>) semaphore(%arg19 : memref<!tpu.dma_semaphore, #tpu.memory_space<semaphore_mem>>)
        %scan3A_166 = arith.constant 0 : i32
        %scan3A_167 = arith.constant 0 : i32
        %scan3A_168 = arith.constant 8 : i32
        %scan3A_169 = arith.addi %scan3A_167, %scan3A_168 : i32
        %scan3A_170 = arith.constant 1 : i32
        scf.for %scan3A_218 = %scan3A_167 to %scan3A_169 step %scan3A_170  : i32 {
          %mul3A_219 = arith.constant 16 : i32
          %mul3A_220 = arith.muli %scan3A_218, %mul3A_219 : i32
          %get3A = arith.index_cast %mul3A_155 : i32 to index
          %get3A_221 = arith.index_cast %mul3A_220 : i32 to index
          %get3A_222 = tpu.vector_load %arg11[%get3A, %get3A_221] {strides = array<i32>} : memref<16x128xi32, #tpu.memory_space<vmem>>, vector<16xi32>,
          %shift_right_logical3A = arith.constant 4 : i32
          %shift_right_logical3A_223 = vector.broadcast %shift_right_logical3A : i32 to vector<16xi32>
          %shift_right_logical3A_224 = arith.shrui %get3A_222, %shift_right_logical3A_223 : vector<16xi32>
          %and3A = arith.constant 15 : i32
          %and3A_225 = vector.broadcast %and3A : i32 to vector<16xi32>
          %and3A_226 = arith.andi %get3A_222, %and3A_225 : vector<16xi32>
          tpu.vector_store_idx %arg14[%shift_right_logical3A_224, %and3A_226], %broadcast_in_dim3A_3 {add = true} : memref<640x16xf32, #tpu.memory_space<vmem>>[vector<16xi32>, vector<16xi32>], vector<16xf32>,
        }
        %scan3A_171 = arith.constant 8 : i32
        %dma_wait3A_172 = arith.constant 0 : i32
        %dma_wait3A_173 = tpu.memref_slice %arg10[%mul3A_155, %dma_wait3A_172] : memref<16x128xi32, #tpu.memory_space<vmem>> -> memref<1x128xi32, #tpu.memory_space<vmem>>
        %dma_wait3A_174 = tpu.memref_squeeze %dma_wait3A_173 : memref<1x128xi32, #tpu.memory_space<vmem>> -> memref<128xi32, #tpu.memory_space<vmem>>
        %dma_wait3A_175 = arith.constant 0 : i32
        %dma_wait3A_176 = arith.constant 0 : i32
        %dma_wait3A_177 = tpu.memref_slice %arg2[%dma_wait3A_175, %dma_wait3A_176] : memref<10000x128xf32, #tpu.memory_space<hbm>> -> memref<10000x128xf32, #tpu.memory_space<hbm>>
        tpu.wait_indirect_dma semaphore(%arg18 : memref<!tpu.dma_semaphore, #tpu.memory_space<semaphore_mem>>) src(%dma_wait3A_177 : memref<10000x128xf32, #tpu.memory_space<hbm>>) dst(%arg12 : memref<128x128xf32, #tpu.memory_space<vmem>>)
        %dma_start3A_178 = arith.constant 0 : i32
        %dma_start3A_179 = tpu.memref_slice %arg11[%mul3A_155, %dma_start3A_178] : memref<16x128xi32, #tpu.memory_space<vmem>> -> memref<1x128xi32, #tpu.memory_space<vmem>>
        %dma_start3A_180 = tpu.memref_squeeze %dma_start3A_179 : memref<1x128xi32, #tpu.memory_space<vmem>> -> memref<128xi32, #tpu.memory_space<vmem>>
        %dma_start3A_181 = arith.constant 0 : i32
        %dma_start3A_182 = arith.constant 0 : i32
        %dma_start3A_183 = tpu.memref_slice %arg16[%dma_start3A_181, %dma_start3A_182] : memref<10240x128xf32, #tpu.memory_space<vmem_shared>> -> memref<10240x128xf32, #tpu.memory_space<vmem_shared>>
        tpu.enqueue_indirect_dma source(%arg12 : memref<128x128xf32, #tpu.memory_space<vmem>>) target(%dma_start3A_183 : memref<10240x128xf32, #tpu.memory_space<vmem_shared>>) offsets(%dma_start3A_180 : memref<128xi32, #tpu.memory_space<vmem>>) semaphore(%arg20 : memref<!tpu.dma_semaphore, #tpu.memory_space<semaphore_mem>>) {add = true}
        %add3A_184 = arith.constant 1 : i32
        %add3A_185 = arith.addi %mul3A_155, %add3A_184 : i32
        %scan3A_186 = arith.constant 0 : i32
        %scan3A_187 = arith.constant 0 : i32
        %scan3A_188 = arith.constant 8 : i32
        %scan3A_189 = arith.addi %scan3A_187, %scan3A_188 : i32
        %scan3A_190 = arith.constant 1 : i32
        scf.for %scan3A_218 = %scan3A_187 to %scan3A_189 step %scan3A_190  : i32 {
          %mul3A_219 = arith.constant 16 : i32
          %mul3A_220 = arith.muli %scan3A_218, %mul3A_219 : i32
          %get3A = arith.index_cast %add3A_185 : i32 to index
          %get3A_221 = arith.index_cast %mul3A_220 : i32 to index
          %get3A_222 = tpu.vector_load %arg11[%get3A, %get3A_221] {strides = array<i32>} : memref<16x128xi32, #tpu.memory_space<vmem>>, vector<16xi32>,
          %shift_right_logical3A = arith.constant 4 : i32
          %shift_right_logical3A_223 = vector.broadcast %shift_right_logical3A : i32 to vector<16xi32>
          %shift_right_logical3A_224 = arith.shrui %get3A_222, %shift_right_logical3A_223 : vector<16xi32>
          %and3A = arith.constant 15 : i32
          %and3A_225 = vector.broadcast %and3A : i32 to vector<16xi32>
          %and3A_226 = arith.andi %get3A_222, %and3A_225 : vector<16xi32>
          tpu.vector_store_idx %arg14[%shift_right_logical3A_224, %and3A_226], %broadcast_in_dim3A_3 {add = true} : memref<640x16xf32, #tpu.memory_space<vmem>>[vector<16xi32>, vector<16xi32>], vector<16xf32>,
        }
        %scan3A_191 = arith.constant 8 : i32
        %add3A_192 = arith.constant 1 : i32
        %add3A_193 = arith.addi %mul3A_155, %add3A_192 : i32
        %dma_wait3A_194 = arith.constant 0 : i32
        %dma_wait3A_195 = tpu.memref_slice %arg10[%add3A_193, %dma_wait3A_194] : memref<16x128xi32, #tpu.memory_space<vmem>> -> memref<1x128xi32, #tpu.memory_space<vmem>>
        %dma_wait3A_196 = tpu.memref_squeeze %dma_wait3A_195 : memref<1x128xi32, #tpu.memory_space<vmem>> -> memref<128xi32, #tpu.memory_space<vmem>>
        %dma_wait3A_197 = arith.constant 0 : i32
        %dma_wait3A_198 = arith.constant 0 : i32
        %dma_wait3A_199 = tpu.memref_slice %arg2[%dma_wait3A_197, %dma_wait3A_198] : memref<10000x128xf32, #tpu.memory_space<hbm>> -> memref<10000x128xf32, #tpu.memory_space<hbm>>
        tpu.wait_indirect_dma semaphore(%arg19 : memref<!tpu.dma_semaphore, #tpu.memory_space<semaphore_mem>>) src(%dma_wait3A_199 : memref<10000x128xf32, #tpu.memory_space<hbm>>) dst(%arg13 : memref<128x128xf32, #tpu.memory_space<vmem>>)
        %add3A_200 = arith.constant 1 : i32
        %add3A_201 = arith.addi %mul3A_155, %add3A_200 : i32
        %dma_start3A_202 = arith.constant 0 : i32
        %dma_start3A_203 = tpu.memref_slice %arg11[%add3A_201, %dma_start3A_202] : memref<16x128xi32, #tpu.memory_space<vmem>> -> memref<1x128xi32, #tpu.memory_space<vmem>>
        %dma_start3A_204 = tpu.memref_squeeze %dma_start3A_203 : memref<1x128xi32, #tpu.memory_space<vmem>> -> memref<128xi32, #tpu.memory_space<vmem>>
        %dma_start3A_205 = arith.constant 0 : i32
        %dma_start3A_206 = arith.constant 0 : i32
        %dma_start3A_207 = tpu.memref_slice %arg16[%dma_start3A_205, %dma_start3A_206] : memref<10240x128xf32, #tpu.memory_space<vmem_shared>> -> memref<10240x128xf32, #tpu.memory_space<vmem_shared>>
        tpu.enqueue_indirect_dma source(%arg13 : memref<128x128xf32, #tpu.memory_space<vmem>>) target(%dma_start3A_207 : memref<10240x128xf32, #tpu.memory_space<vmem_shared>>) offsets(%dma_start3A_204 : memref<128xi32, #tpu.memory_space<vmem>>) semaphore(%arg21 : memref<!tpu.dma_semaphore, #tpu.memory_space<semaphore_mem>>) {add = true}
        %dma_wait3A_208 = arith.constant 0 : i32
        %dma_wait3A_209 = tpu.memref_slice %arg11[%mul3A_155, %dma_wait3A_208] : memref<16x128xi32, #tpu.memory_space<vmem>> -> memref<1x128xi32, #tpu.memory_space<vmem>>
        %dma_wait3A_210 = tpu.memref_squeeze %dma_wait3A_209 : memref<1x128xi32, #tpu.memory_space<vmem>> -> memref<128xi32, #tpu.memory_space<vmem>>
        %dma_wait3A_211 = arith.constant 0 : i32
        %dma_wait3A_212 = arith.constant 0 : i32
        %dma_wait3A_213 = tpu.memref_slice %arg16[%dma_wait3A_211, %dma_wait3A_212] : memref<10240x128xf32, #tpu.memory_space<vmem_shared>> -> memref<10240x128xf32, #tpu.memory_space<vmem_shared>>
        tpu.wait_indirect_dma semaphore(%arg20 : memref<!tpu.dma_semaphore, #tpu.memory_space<semaphore_mem>>) src(%arg12 : memref<128x128xf32, #tpu.memory_space<vmem>>) dst(%dma_wait3A_213 : memref<10240x128xf32, #tpu.memory_space<vmem_shared>>)
        %lt3A = arith.constant 7 : i32
        %lt3A_214 = arith.cmpi slt, %scan3A_153, %lt3A : i32
        %convert_element_type3A_215 = arith.extui %lt3A_214 : i1 to i32
        %cond3A_216 = arith.constant 0 : i32
        %cond3A_217 = arith.cmpi ne, %convert_element_type3A_215, %cond3A_216 : i32
        scf.if %cond3A_217 {
          %add3A_218 = arith.constant 2 : i32
          %add3A_219 = arith.addi %mul3A_155, %add3A_218 : i32
          %dma_start3A_220 = arith.constant 0 : i32
          %dma_start3A_221 = tpu.memref_slice %arg10[%add3A_219, %dma_start3A_220] : memref<16x128xi32, #tpu.memory_space<vmem>> -> memref<1x128xi32, #tpu.memory_space<vmem>>
          %dma_start3A_222 = tpu.memref_squeeze %dma_start3A_221 : memref<1x128xi32, #tpu.memory_space<vmem>> -> memref<128xi32, #tpu.memory_space<vmem>>
          %dma_start3A_223 = arith.constant 0 : i32
          %dma_start3A_224 = arith.constant 0 : i32
          %dma_start3A_225 = tpu.memref_slice %arg2[%dma_start3A_223, %dma_start3A_224] : memref<10000x128xf32, #tpu.memory_space<hbm>> -> memref<10000x128xf32, #tpu.memory_space<hbm>>
          tpu.enqueue_indirect_dma source(%dma_start3A_225 : memref<10000x128xf32, #tpu.memory_space<hbm>>) target(%arg12 : memref<128x128xf32, #tpu.memory_space<vmem>>) offsets(%dma_start3A_222 : memref<128xi32, #tpu.memory_space<vmem>>) semaphore(%arg18 : memref<!tpu.dma_semaphore, #tpu.memory_space<semaphore_mem>>)
        } else {
        }
      }
      %scan3A_145 = arith.constant 8 : i32
      %dma_wait3A_146 = arith.constant 15 : i32
      %dma_wait3A_147 = arith.constant 0 : i32
      %dma_wait3A_148 = tpu.memref_slice %arg11[%dma_wait3A_146, %dma_wait3A_147] : memref<16x128xi32, #tpu.memory_space<vmem>> -> memref<1x128xi32, #tpu.memory_space<vmem>>
      %dma_wait3A_149 = tpu.memref_squeeze %dma_wait3A_148 : memref<1x128xi32, #tpu.memory_space<vmem>> -> memref<128xi32, #tpu.memory_space<vmem>>
      %dma_wait3A_150 = arith.constant 0 : i32
      %dma_wait3A_151 = arith.constant 0 : i32
      %dma_wait3A_152 = tpu.memref_slice %arg16[%dma_wait3A_150, %dma_wait3A_151] : memref<10240x128xf32, #tpu.memory_space<vmem_shared>> -> memref<10240x128xf32, #tpu.memory_space<vmem_shared>>
      tpu.wait_indirect_dma semaphore(%arg21 : memref<!tpu.dma_semaphore, #tpu.memory_space<semaphore_mem>>) src(%arg13 : memref<128x128xf32, #tpu.memory_space<vmem>>) dst(%dma_wait3A_152 : memref<10240x128xf32, #tpu.memory_space<vmem_shared>>)
    }
    %while3A_22 = arith.constant 1 : i32
    scf.for %while3A_130 = %while3A_20 to %while3A_16 step %while3A_22  : i32 {
      %mul3A_131 = arith.constant 16 : i32
      %mul3A_132 = arith.muli %while3A_130, %mul3A_131 : i32
      %add3A_133 = arith.addi %select_n3A, %mul3A_132 : i32
      "tpu.region"() ({
        %run_scoped3A = tpu.sem_alloc : memref<!tpu.dma_semaphore, #tpu.memory_space<semaphore_mem>>
        %dma_start3A_153 = arith.constant 0 : i32
        %dma_start3A_154 = tpu.memref_slice %arg3[%add3A_133, %dma_start3A_153] : memref<2560x128xi32, #tpu.memory_space<hbm>> -> memref<16x128xi32, #tpu.memory_space<hbm>>
        %dma_start3A_155 = arith.constant 0 : i32
        %dma_start3A_156 = tpu.memref_slice %arg3[%add3A_133, %dma_start3A_155] : memref<2560x128xi32, #tpu.memory_space<hbm>> -> memref<16x128xi32, #tpu.memory_space<hbm>>
        tpu.enqueue_dma source(%dma_start3A_156 : memref<16x128xi32, #tpu.memory_space<hbm>>) target(%arg10 : memref<16x128xi32, #tpu.memory_space<vmem>>) target_semaphore(%run_scoped3A : memref<!tpu.dma_semaphore, #tpu.memory_space<semaphore_mem>>)
        %dma_wait3A_157 = arith.constant 0 : i32
        %dma_wait3A_158 = tpu.memref_slice %arg3[%add3A_133, %dma_wait3A_157] : memref<2560x128xi32, #tpu.memory_space<hbm>> -> memref<16x128xi32, #tpu.memory_space<hbm>>
        %dma_wait3A_159 = arith.constant 0 : i32
        %dma_wait3A_160 = tpu.memref_slice %arg3[%add3A_133, %dma_wait3A_159] : memref<2560x128xi32, #tpu.memory_space<hbm>> -> memref<16x128xi32, #tpu.memory_space<hbm>>
        tpu.wait_dma2 semaphore(%run_scoped3A : memref<!tpu.dma_semaphore, #tpu.memory_space<semaphore_mem>>) src(%dma_wait3A_160 : memref<16x128xi32, #tpu.memory_space<hbm>>) dst(%arg10 : memref<16x128xi32, #tpu.memory_space<vmem>>)
        tpu.yield
      }) : () -> ()
      "tpu.region"() ({
        %run_scoped3A = tpu.sem_alloc : memref<!tpu.dma_semaphore, #tpu.memory_space<semaphore_mem>>
        %dma_start3A_153 = arith.constant 0 : i32
        %dma_start3A_154 = tpu.memref_slice %arg4[%add3A_133, %dma_start3A_153] : memref<2560x128xi32, #tpu.memory_space<hbm>> -> memref<16x128xi32, #tpu.memory_space<hbm>>
        %dma_start3A_155 = arith.constant 0 : i32
        %dma_start3A_156 = tpu.memref_slice %arg4[%add3A_133, %dma_start3A_155] : memref<2560x128xi32, #tpu.memory_space<hbm>> -> memref<16x128xi32, #tpu.memory_space<hbm>>
        tpu.enqueue_dma source(%dma_start3A_156 : memref<16x128xi32, #tpu.memory_space<hbm>>) target(%arg11 : memref<16x128xi32, #tpu.memory_space<vmem>>) target_semaphore(%run_scoped3A : memref<!tpu.dma_semaphore, #tpu.memory_space<semaphore_mem>>)
        %dma_wait3A_157 = arith.constant 0 : i32
        %dma_wait3A_158 = tpu.memref_slice %arg4[%add3A_133, %dma_wait3A_157] : memref<2560x128xi32, #tpu.memory_space<hbm>> -> memref<16x128xi32, #tpu.memory_space<hbm>>
        %dma_wait3A_159 = arith.constant 0 : i32
        %dma_wait3A_160 = tpu.memref_slice %arg4[%add3A_133, %dma_wait3A_159] : memref<2560x128xi32, #tpu.memory_space<hbm>> -> memref<16x128xi32, #tpu.memory_space<hbm>>
        tpu.wait_dma2 semaphore(%run_scoped3A : memref<!tpu.dma_semaphore, #tpu.memory_space<semaphore_mem>>) src(%dma_wait3A_160 : memref<16x128xi32, #tpu.memory_space<hbm>>) dst(%arg11 : memref<16x128xi32, #tpu.memory_space<vmem>>)
        tpu.yield
      }) : () -> ()
      %dma_start3A_134 = arith.constant 0 : i32
      %dma_start3A_135 = arith.constant 0 : i32
      %dma_start3A_136 = tpu.memref_slice %arg10[%dma_start3A_134, %dma_start3A_135] : memref<16x128xi32, #tpu.memory_space<vmem>> -> memref<1x128xi32, #tpu.memory_space<vmem>>
      %dma_start3A_137 = tpu.memref_squeeze %dma_start3A_136 : memref<1x128xi32, #tpu.memory_space<vmem>> -> memref<128xi32, #tpu.memory_space<vmem>>
      %dma_start3A_138 = arith.constant 0 : i32
      %dma_start3A_139 = arith.constant 0 : i32
      %dma_start3A_140 = tpu.memref_slice %arg2[%dma_start3A_138, %dma_start3A_139] : memref<10000x128xf32, #tpu.memory_space<hbm>> -> memref<10000x128xf32, #tpu.memory_space<hbm>>
      tpu.enqueue_indirect_dma source(%dma_start3A_140 : memref<10000x128xf32, #tpu.memory_space<hbm>>) target(%arg12 : memref<128x128xf32, #tpu.memory_space<vmem>>) offsets(%dma_start3A_137 : memref<128xi32, #tpu.memory_space<vmem>>) semaphore(%arg18 : memref<!tpu.dma_semaphore, #tpu.memory_space<semaphore_mem>>)
      %scan3A = arith.constant 0 : i32
      %scan3A_141 = arith.constant 0 : i32
      %scan3A_142 = arith.constant 8 : i32
      %scan3A_143 = arith.addi %scan3A_141, %scan3A_142 : i32
      %scan3A_144 = arith.constant 1 : i32
      scf.for %scan3A_153 = %scan3A_141 to %scan3A_143 step %scan3A_144  : i32 {
        %mul3A_154 = arith.constant 2 : i32
        %mul3A_155 = arith.muli %mul3A_154, %scan3A_153 : i32
        %gt3A = arith.constant 0 : i32
        %gt3A_156 = arith.cmpi sgt, %scan3A_153, %gt3A : i32
        %convert_element_type3A = arith.extui %gt3A_156 : i1 to i32
        %cond3A = arith.constant 0 : i32
        %cond3A_157 = arith.cmpi ne, %convert_element_type3A, %cond3A : i32
        scf.if %cond3A_157 {
          %sub3A = arith.constant 1 : i32
          %sub3A_218 = arith.subi %mul3A_155, %sub3A : i32
          %dma_wait3A_219 = arith.constant 0 : i32
          %dma_wait3A_220 = tpu.memref_slice %arg11[%sub3A_218, %dma_wait3A_219] : memref<16x128xi32, #tpu.memory_space<vmem>> -> memref<1x128xi32, #tpu.memory_space<vmem>>
          %dma_wait3A_221 = tpu.memref_squeeze %dma_wait3A_220 : memref<1x128xi32, #tpu.memory_space<vmem>> -> memref<128xi32, #tpu.memory_space<vmem>>
          %dma_wait3A_222 = arith.constant 0 : i32
          %dma_wait3A_223 = arith.constant 0 : i32
          %dma_wait3A_224 = tpu.memref_slice %arg16[%dma_wait3A_222, %dma_wait3A_223] : memref<10240x128xf32, #tpu.memory_space<vmem_shared>> -> memref<10240x128xf32, #tpu.memory_space<vmem_shared>>
          tpu.wait_indirect_dma semaphore(%arg21 : memref<!tpu.dma_semaphore, #tpu.memory_space<semaphore_mem>>) src(%arg13 : memref<128x128xf32, #tpu.memory_space<vmem>>) dst(%dma_wait3A_224 : memref<10240x128xf32, #tpu.memory_space<vmem_shared>>)
        } else {
        }
        %add3A_158 = arith.constant 1 : i32
        %add3A_159 = arith.addi %mul3A_155, %add3A_158 : i32
        %dma_start3A_160 = arith.constant 0 : i32
        %dma_start3A_161 = tpu.memref_slice %arg10[%add3A_159, %dma_start3A_160] : memref<16x128xi32, #tpu.memory_space<vmem>> -> memref<1x128xi32, #tpu.memory_space<vmem>>
        %dma_start3A_162 = tpu.memref_squeeze %dma_start3A_161 : memref<1x128xi32, #tpu.memory_space<vmem>> -> memref<128xi32, #tpu.memory_space<vmem>>
        %dma_start3A_163 = arith.constant 0 : i32
        %dma_start3A_164 = arith.constant 0 : i32
        %dma_start3A_165 = tpu.memref_slice %arg2[%dma_start3A_163, %dma_start3A_164] : memref<10000x128xf32, #tpu.memory_space<hbm>> -> memref<10000x128xf32, #tpu.memory_space<hbm>>
        tpu.enqueue_indirect_dma source(%dma_start3A_165 : memref<10000x128xf32, #tpu.memory_space<hbm>>) target(%arg13 : memref<128x128xf32, #tpu.memory_space<vmem>>) offsets(%dma_start3A_162 : memref<128xi32, #tpu.memory_space<vmem>>) semaphore(%arg19 : memref<!tpu.dma_semaphore, #tpu.memory_space<semaphore_mem>>)
        %scan3A_166 = arith.constant 0 : i32
        %scan3A_167 = arith.constant 0 : i32
        %scan3A_168 = arith.constant 8 : i32
        %scan3A_169 = arith.addi %scan3A_167, %scan3A_168 : i32
        %scan3A_170 = arith.constant 1 : i32
        scf.for %scan3A_218 = %scan3A_167 to %scan3A_169 step %scan3A_170  : i32 {
          %mul3A_219 = arith.constant 16 : i32
          %mul3A_220 = arith.muli %scan3A_218, %mul3A_219 : i32
          %get3A = arith.index_cast %mul3A_155 : i32 to index
          %get3A_221 = arith.index_cast %mul3A_220 : i32 to index
          %get3A_222 = tpu.vector_load %arg11[%get3A, %get3A_221] {strides = array<i32>} : memref<16x128xi32, #tpu.memory_space<vmem>>, vector<16xi32>,
          %shift_right_logical3A = arith.constant 4 : i32
          %shift_right_logical3A_223 = vector.broadcast %shift_right_logical3A : i32 to vector<16xi32>
          %shift_right_logical3A_224 = arith.shrui %get3A_222, %shift_right_logical3A_223 : vector<16xi32>
          %and3A = arith.constant 15 : i32
          %and3A_225 = vector.broadcast %and3A : i32 to vector<16xi32>
          %and3A_226 = arith.andi %get3A_222, %and3A_225 : vector<16xi32>
          tpu.vector_store_idx %arg14[%shift_right_logical3A_224, %and3A_226], %broadcast_in_dim3A_3 {add = true} : memref<640x16xf32, #tpu.memory_space<vmem>>[vector<16xi32>, vector<16xi32>], vector<16xf32>,
        }
        %scan3A_171 = arith.constant 8 : i32
        %dma_wait3A_172 = arith.constant 0 : i32
        %dma_wait3A_173 = tpu.memref_slice %arg10[%mul3A_155, %dma_wait3A_172] : memref<16x128xi32, #tpu.memory_space<vmem>> -> memref<1x128xi32, #tpu.memory_space<vmem>>
        %dma_wait3A_174 = tpu.memref_squeeze %dma_wait3A_173 : memref<1x128xi32, #tpu.memory_space<vmem>> -> memref<128xi32, #tpu.memory_space<vmem>>
        %dma_wait3A_175 = arith.constant 0 : i32
        %dma_wait3A_176 = arith.constant 0 : i32
        %dma_wait3A_177 = tpu.memref_slice %arg2[%dma_wait3A_175, %dma_wait3A_176] : memref<10000x128xf32, #tpu.memory_space<hbm>> -> memref<10000x128xf32, #tpu.memory_space<hbm>>
        tpu.wait_indirect_dma semaphore(%arg18 : memref<!tpu.dma_semaphore, #tpu.memory_space<semaphore_mem>>) src(%dma_wait3A_177 : memref<10000x128xf32, #tpu.memory_space<hbm>>) dst(%arg12 : memref<128x128xf32, #tpu.memory_space<vmem>>)
        %dma_start3A_178 = arith.constant 0 : i32
        %dma_start3A_179 = tpu.memref_slice %arg11[%mul3A_155, %dma_start3A_178] : memref<16x128xi32, #tpu.memory_space<vmem>> -> memref<1x128xi32, #tpu.memory_space<vmem>>
        %dma_start3A_180 = tpu.memref_squeeze %dma_start3A_179 : memref<1x128xi32, #tpu.memory_space<vmem>> -> memref<128xi32, #tpu.memory_space<vmem>>
        %dma_start3A_181 = arith.constant 0 : i32
        %dma_start3A_182 = arith.constant 0 : i32
        %dma_start3A_183 = tpu.memref_slice %arg16[%dma_start3A_181, %dma_start3A_182] : memref<10240x128xf32, #tpu.memory_space<vmem_shared>> -> memref<10240x128xf32, #tpu.memory_space<vmem_shared>>
        tpu.enqueue_indirect_dma source(%arg12 : memref<128x128xf32, #tpu.memory_space<vmem>>) target(%dma_start3A_183 : memref<10240x128xf32, #tpu.memory_space<vmem_shared>>) offsets(%dma_start3A_180 : memref<128xi32, #tpu.memory_space<vmem>>) semaphore(%arg20 : memref<!tpu.dma_semaphore, #tpu.memory_space<semaphore_mem>>) {add = true}
        %add3A_184 = arith.constant 1 : i32
        %add3A_185 = arith.addi %mul3A_155, %add3A_184 : i32
        %scan3A_186 = arith.constant 0 : i32
        %scan3A_187 = arith.constant 0 : i32
        %scan3A_188 = arith.constant 8 : i32
        %scan3A_189 = arith.addi %scan3A_187, %scan3A_188 : i32
        %scan3A_190 = arith.constant 1 : i32
        scf.for %scan3A_218 = %scan3A_187 to %scan3A_189 step %scan3A_190  : i32 {
          %mul3A_219 = arith.constant 16 : i32
          %mul3A_220 = arith.muli %scan3A_218, %mul3A_219 : i32
          %get3A = arith.index_cast %add3A_185 : i32 to index
          %get3A_221 = arith.index_cast %mul3A_220 : i32 to index
          %get3A_222 = tpu.vector_load %arg11[%get3A, %get3A_221] {strides = array<i32>} : memref<16x128xi32, #tpu.memory_space<vmem>>, vector<16xi32>,
          %shift_right_logical3A = arith.constant 4 : i32
          %shift_right_logical3A_223 = vector.broadcast %shift_right_logical3A : i32 to vector<16xi32>
          %shift_right_logical3A_224 = arith.shrui %get3A_222, %shift_right_logical3A_223 : vector<16xi32>
          %and3A = arith.constant 15 : i32
          %and3A_225 = vector.broadcast %and3A : i32 to vector<16xi32>
          %and3A_226 = arith.andi %get3A_222, %and3A_225 : vector<16xi32>
          tpu.vector_store_idx %arg14[%shift_right_logical3A_224, %and3A_226], %broadcast_in_dim3A_3 {add = true} : memref<640x16xf32, #tpu.memory_space<vmem>>[vector<16xi32>, vector<16xi32>], vector<16xf32>,
        }
        %scan3A_191 = arith.constant 8 : i32
        %add3A_192 = arith.constant 1 : i32
        %add3A_193 = arith.addi %mul3A_155, %add3A_192 : i32
        %dma_wait3A_194 = arith.constant 0 : i32
        %dma_wait3A_195 = tpu.memref_slice %arg10[%add3A_193, %dma_wait3A_194] : memref<16x128xi32, #tpu.memory_space<vmem>> -> memref<1x128xi32, #tpu.memory_space<vmem>>
        %dma_wait3A_196 = tpu.memref_squeeze %dma_wait3A_195 : memref<1x128xi32, #tpu.memory_space<vmem>> -> memref<128xi32, #tpu.memory_space<vmem>>
        %dma_wait3A_197 = arith.constant 0 : i32
        %dma_wait3A_198 = arith.constant 0 : i32
        %dma_wait3A_199 = tpu.memref_slice %arg2[%dma_wait3A_197, %dma_wait3A_198] : memref<10000x128xf32, #tpu.memory_space<hbm>> -> memref<10000x128xf32, #tpu.memory_space<hbm>>
        tpu.wait_indirect_dma semaphore(%arg19 : memref<!tpu.dma_semaphore, #tpu.memory_space<semaphore_mem>>) src(%dma_wait3A_199 : memref<10000x128xf32, #tpu.memory_space<hbm>>) dst(%arg13 : memref<128x128xf32, #tpu.memory_space<vmem>>)
        %add3A_200 = arith.constant 1 : i32
        %add3A_201 = arith.addi %mul3A_155, %add3A_200 : i32
        %dma_start3A_202 = arith.constant 0 : i32
        %dma_start3A_203 = tpu.memref_slice %arg11[%add3A_201, %dma_start3A_202] : memref<16x128xi32, #tpu.memory_space<vmem>> -> memref<1x128xi32, #tpu.memory_space<vmem>>
        %dma_start3A_204 = tpu.memref_squeeze %dma_start3A_203 : memref<1x128xi32, #tpu.memory_space<vmem>> -> memref<128xi32, #tpu.memory_space<vmem>>
        %dma_start3A_205 = arith.constant 0 : i32
        %dma_start3A_206 = arith.constant 0 : i32
        %dma_start3A_207 = tpu.memref_slice %arg16[%dma_start3A_205, %dma_start3A_206] : memref<10240x128xf32, #tpu.memory_space<vmem_shared>> -> memref<10240x128xf32, #tpu.memory_space<vmem_shared>>
        tpu.enqueue_indirect_dma source(%arg13 : memref<128x128xf32, #tpu.memory_space<vmem>>) target(%dma_start3A_207 : memref<10240x128xf32, #tpu.memory_space<vmem_shared>>) offsets(%dma_start3A_204 : memref<128xi32, #tpu.memory_space<vmem>>) semaphore(%arg21 : memref<!tpu.dma_semaphore, #tpu.memory_space<semaphore_mem>>) {add = true}
        %dma_wait3A_208 = arith.constant 0 : i32
        %dma_wait3A_209 = tpu.memref_slice %arg11[%mul3A_155, %dma_wait3A_208] : memref<16x128xi32, #tpu.memory_space<vmem>> -> memref<1x128xi32, #tpu.memory_space<vmem>>
        %dma_wait3A_210 = tpu.memref_squeeze %dma_wait3A_209 : memref<1x128xi32, #tpu.memory_space<vmem>> -> memref<128xi32, #tpu.memory_space<vmem>>
        %dma_wait3A_211 = arith.constant 0 : i32
        %dma_wait3A_212 = arith.constant 0 : i32
        %dma_wait3A_213 = tpu.memref_slice %arg16[%dma_wait3A_211, %dma_wait3A_212] : memref<10240x128xf32, #tpu.memory_space<vmem_shared>> -> memref<10240x128xf32, #tpu.memory_space<vmem_shared>>
        tpu.wait_indirect_dma semaphore(%arg20 : memref<!tpu.dma_semaphore, #tpu.memory_space<semaphore_mem>>) src(%arg12 : memref<128x128xf32, #tpu.memory_space<vmem>>) dst(%dma_wait3A_213 : memref<10240x128xf32, #tpu.memory_space<vmem_shared>>)
        %lt3A = arith.constant 7 : i32
        %lt3A_214 = arith.cmpi slt, %scan3A_153, %lt3A : i32
        %convert_element_type3A_215 = arith.extui %lt3A_214 : i1 to i32
        %cond3A_216 = arith.constant 0 : i32
        %cond3A_217 = arith.cmpi ne, %convert_element_type3A_215, %cond3A_216 : i32
        scf.if %cond3A_217 {
          %add3A_218 = arith.constant 2 : i32
          %add3A_219 = arith.addi %mul3A_155, %add3A_218 : i32
          %dma_start3A_220 = arith.constant 0 : i32
          %dma_start3A_221 = tpu.memref_slice %arg10[%add3A_219, %dma_start3A_220] : memref<16x128xi32, #tpu.memory_space<vmem>> -> memref<1x128xi32, #tpu.memory_space<vmem>>
          %dma_start3A_222 = tpu.memref_squeeze %dma_start3A_221 : memref<1x128xi32, #tpu.memory_space<vmem>> -> memref<128xi32, #tpu.memory_space<vmem>>
          %dma_start3A_223 = arith.constant 0 : i32
          %dma_start3A_224 = arith.constant 0 : i32
          %dma_start3A_225 = tpu.memref_slice %arg2[%dma_start3A_223, %dma_start3A_224] : memref<10000x128xf32, #tpu.memory_space<hbm>> -> memref<10000x128xf32, #tpu.memory_space<hbm>>
          tpu.enqueue_indirect_dma source(%dma_start3A_225 : memref<10000x128xf32, #tpu.memory_space<hbm>>) target(%arg12 : memref<128x128xf32, #tpu.memory_space<vmem>>) offsets(%dma_start3A_222 : memref<128xi32, #tpu.memory_space<vmem>>) semaphore(%arg18 : memref<!tpu.dma_semaphore, #tpu.memory_space<semaphore_mem>>)
        } else {
        }
      }
      %scan3A_145 = arith.constant 8 : i32
      %dma_wait3A_146 = arith.constant 15 : i32
      %dma_wait3A_147 = arith.constant 0 : i32
      %dma_wait3A_148 = tpu.memref_slice %arg11[%dma_wait3A_146, %dma_wait3A_147] : memref<16x128xi32, #tpu.memory_space<vmem>> -> memref<1x128xi32, #tpu.memory_space<vmem>>
      %dma_wait3A_149 = tpu.memref_squeeze %dma_wait3A_148 : memref<1x128xi32, #tpu.memory_space<vmem>> -> memref<128xi32, #tpu.memory_space<vmem>>
      %dma_wait3A_150 = arith.constant 0 : i32
      %dma_wait3A_151 = arith.constant 0 : i32
      %dma_wait3A_152 = tpu.memref_slice %arg16[%dma_wait3A_150, %dma_wait3A_151] : memref<10240x128xf32, #tpu.memory_space<vmem_shared>> -> memref<10240x128xf32, #tpu.memory_space<vmem_shared>>
      tpu.wait_indirect_dma semaphore(%arg21 : memref<!tpu.dma_semaphore, #tpu.memory_space<semaphore_mem>>) src(%arg13 : memref<128x128xf32, #tpu.memory_space<vmem>>) dst(%dma_wait3A_152 : memref<10240x128xf32, #tpu.memory_space<vmem_shared>>)
    }
    %dma_start3A = arith.constant 0 : i32
    %dma_start3A_23 = arith.constant 0 : i32
    %dma_start3A_24 = arith.constant 0 : i32
    %dma_start3A_25 = tpu.memref_slice %arg14[%dma_start3A_23, %dma_start3A_24] : memref<640x16xf32, #tpu.memory_space<vmem>> -> memref<128x16xf32, #tpu.memory_space<vmem>>
    %dma_start3A_26 = arith.constant 0 : i32
    %dma_start3A_27 = tpu.memref_slice %arg15[%dma_start3A, %dma_start3A_26] : memref<5x128xi32, #tpu.memory_space<vmem>> -> memref<1x128xi32, #tpu.memory_space<vmem>>
    %dma_start3A_28 = tpu.memref_squeeze %dma_start3A_27 : memref<1x128xi32, #tpu.memory_space<vmem>> -> memref<128xi32, #tpu.memory_space<vmem>>
    %dma_start3A_29 = arith.constant 0 : i32
    %dma_start3A_30 = arith.constant 0 : i32
    %dma_start3A_31 = tpu.memref_slice %arg17[%dma_start3A_29, %dma_start3A_30] : memref<640x16xf32, #tpu.memory_space<vmem_shared>> -> memref<640x16xf32, #tpu.memory_space<vmem_shared>>
    tpu.enqueue_indirect_dma source(%dma_start3A_25 : memref<128x16xf32, #tpu.memory_space<vmem>>) target(%dma_start3A_31 : memref<640x16xf32, #tpu.memory_space<vmem_shared>>) offsets(%dma_start3A_28 : memref<128xi32, #tpu.memory_space<vmem>>) semaphore(%arg22 : memref<!tpu.dma_semaphore, #tpu.memory_space<semaphore_mem>>) {add = true}
    %dma_start3A_32 = arith.constant 1 : i32
    %dma_start3A_33 = arith.constant 128 : i32
    %dma_start3A_34 = arith.constant 0 : i32
    %dma_start3A_35 = tpu.memref_slice %arg14[%dma_start3A_33, %dma_start3A_34] : memref<640x16xf32, #tpu.memory_space<vmem>> -> memref<128x16xf32, #tpu.memory_space<vmem>>
    %dma_start3A_36 = arith.constant 0 : i32
    %dma_start3A_37 = tpu.memref_slice %arg15[%dma_start3A_32, %dma_start3A_36] : memref<5x128xi32, #tpu.memory_space<vmem>> -> memref<1x128xi32, #tpu.memory_space<vmem>>
    %dma_start3A_38 = tpu.memref_squeeze %dma_start3A_37 : memref<1x128xi32, #tpu.memory_space<vmem>> -> memref<128xi32, #tpu.memory_space<vmem>>
    %dma_start3A_39 = arith.constant 0 : i32
    %dma_start3A_40 = arith.constant 0 : i32
    %dma_start3A_41 = tpu.memref_slice %arg17[%dma_start3A_39, %dma_start3A_40] : memref<640x16xf32, #tpu.memory_space<vmem_shared>> -> memref<640x16xf32, #tpu.memory_space<vmem_shared>>
    tpu.enqueue_indirect_dma source(%dma_start3A_35 : memref<128x16xf32, #tpu.memory_space<vmem>>) target(%dma_start3A_41 : memref<640x16xf32, #tpu.memory_space<vmem_shared>>) offsets(%dma_start3A_38 : memref<128xi32, #tpu.memory_space<vmem>>) semaphore(%arg22 : memref<!tpu.dma_semaphore, #tpu.memory_space<semaphore_mem>>) {add = true}
    %dma_start3A_42 = arith.constant 2 : i32
    %dma_start3A_43 = arith.constant 256 : i32
    %dma_start3A_44 = arith.constant 0 : i32
    %dma_start3A_45 = tpu.memref_slice %arg14[%dma_start3A_43, %dma_start3A_44] : memref<640x16xf32, #tpu.memory_space<vmem>> -> memref<128x16xf32, #tpu.memory_space<vmem>>
    %dma_start3A_46 = arith.constant 0 : i32
    %dma_start3A_47 = tpu.memref_slice %arg15[%dma_start3A_42, %dma_start3A_46] : memref<5x128xi32, #tpu.memory_space<vmem>> -> memref<1x128xi32, #tpu.memory_space<vmem>>
    %dma_start3A_48 = tpu.memref_squeeze %dma_start3A_47 : memref<1x128xi32, #tpu.memory_space<vmem>> -> memref<128xi32, #tpu.memory_space<vmem>>
    %dma_start3A_49 = arith.constant 0 : i32
    %dma_start3A_50 = arith.constant 0 : i32
    %dma_start3A_51 = tpu.memref_slice %arg17[%dma_start3A_49, %dma_start3A_50] : memref<640x16xf32, #tpu.memory_space<vmem_shared>> -> memref<640x16xf32, #tpu.memory_space<vmem_shared>>
    tpu.enqueue_indirect_dma source(%dma_start3A_45 : memref<128x16xf32, #tpu.memory_space<vmem>>) target(%dma_start3A_51 : memref<640x16xf32, #tpu.memory_space<vmem_shared>>) offsets(%dma_start3A_48 : memref<128xi32, #tpu.memory_space<vmem>>) semaphore(%arg22 : memref<!tpu.dma_semaphore, #tpu.memory_space<semaphore_mem>>) {add = true}
    %dma_start3A_52 = arith.constant 3 : i32
    %dma_start3A_53 = arith.constant 384 : i32
    %dma_start3A_54 = arith.constant 0 : i32
    %dma_start3A_55 = tpu.memref_slice %arg14[%dma_start3A_53, %dma_start3A_54] : memref<640x16xf32, #tpu.memory_space<vmem>> -> memref<128x16xf32, #tpu.memory_space<vmem>>
    %dma_start3A_56 = arith.constant 0 : i32
    %dma_start3A_57 = tpu.memref_slice %arg15[%dma_start3A_52, %dma_start3A_56] : memref<5x128xi32, #tpu.memory_space<vmem>> -> memref<1x128xi32, #tpu.memory_space<vmem>>
    %dma_start3A_58 = tpu.memref_squeeze %dma_start3A_57 : memref<1x128xi32, #tpu.memory_space<vmem>> -> memref<128xi32, #tpu.memory_space<vmem>>
    %dma_start3A_59 = arith.constant 0 : i32
    %dma_start3A_60 = arith.constant 0 : i32
    %dma_start3A_61 = tpu.memref_slice %arg17[%dma_start3A_59, %dma_start3A_60] : memref<640x16xf32, #tpu.memory_space<vmem_shared>> -> memref<640x16xf32, #tpu.memory_space<vmem_shared>>
    tpu.enqueue_indirect_dma source(%dma_start3A_55 : memref<128x16xf32, #tpu.memory_space<vmem>>) target(%dma_start3A_61 : memref<640x16xf32, #tpu.memory_space<vmem_shared>>) offsets(%dma_start3A_58 : memref<128xi32, #tpu.memory_space<vmem>>) semaphore(%arg22 : memref<!tpu.dma_semaphore, #tpu.memory_space<semaphore_mem>>) {add = true}
    %dma_start3A_62 = arith.constant 4 : i32
    %dma_start3A_63 = arith.constant 512 : i32
    %dma_start3A_64 = arith.constant 0 : i32
    %dma_start3A_65 = tpu.memref_slice %arg14[%dma_start3A_63, %dma_start3A_64] : memref<640x16xf32, #tpu.memory_space<vmem>> -> memref<128x16xf32, #tpu.memory_space<vmem>>
    %dma_start3A_66 = arith.constant 0 : i32
    %dma_start3A_67 = tpu.memref_slice %arg15[%dma_start3A_62, %dma_start3A_66] : memref<5x128xi32, #tpu.memory_space<vmem>> -> memref<1x128xi32, #tpu.memory_space<vmem>>
    %dma_start3A_68 = tpu.memref_squeeze %dma_start3A_67 : memref<1x128xi32, #tpu.memory_space<vmem>> -> memref<128xi32, #tpu.memory_space<vmem>>
    %dma_start3A_69 = arith.constant 0 : i32
    %dma_start3A_70 = arith.constant 0 : i32
    %dma_start3A_71 = tpu.memref_slice %arg17[%dma_start3A_69, %dma_start3A_70] : memref<640x16xf32, #tpu.memory_space<vmem_shared>> -> memref<640x16xf32, #tpu.memory_space<vmem_shared>>
    tpu.enqueue_indirect_dma source(%dma_start3A_65 : memref<128x16xf32, #tpu.memory_space<vmem>>) target(%dma_start3A_71 : memref<640x16xf32, #tpu.memory_space<vmem_shared>>) offsets(%dma_start3A_68 : memref<128xi32, #tpu.memory_space<vmem>>) semaphore(%arg22 : memref<!tpu.dma_semaphore, #tpu.memory_space<semaphore_mem>>) {add = true}
    %dma_wait3A = arith.constant 0 : i32
    %dma_wait3A_72 = arith.constant 0 : i32
    %dma_wait3A_73 = arith.constant 0 : i32
    %dma_wait3A_74 = tpu.memref_slice %arg14[%dma_wait3A_72, %dma_wait3A_73] : memref<640x16xf32, #tpu.memory_space<vmem>> -> memref<128x16xf32, #tpu.memory_space<vmem>>
    %dma_wait3A_75 = arith.constant 0 : i32
    %dma_wait3A_76 = tpu.memref_slice %arg15[%dma_wait3A, %dma_wait3A_75] : memref<5x128xi32, #tpu.memory_space<vmem>> -> memref<1x128xi32, #tpu.memory_space<vmem>>
    %dma_wait3A_77 = tpu.memref_squeeze %dma_wait3A_76 : memref<1x128xi32, #tpu.memory_space<vmem>> -> memref<128xi32, #tpu.memory_space<vmem>>
    %dma_wait3A_78 = arith.constant 0 : i32
    %dma_wait3A_79 = arith.constant 0 : i32
    %dma_wait3A_80 = tpu.memref_slice %arg17[%dma_wait3A_78, %dma_wait3A_79] : memref<640x16xf32, #tpu.memory_space<vmem_shared>> -> memref<640x16xf32, #tpu.memory_space<vmem_shared>>
    tpu.wait_indirect_dma semaphore(%arg22 : memref<!tpu.dma_semaphore, #tpu.memory_space<semaphore_mem>>) src(%dma_wait3A_74 : memref<128x16xf32, #tpu.memory_space<vmem>>) dst(%dma_wait3A_80 : memref<640x16xf32, #tpu.memory_space<vmem_shared>>)
    %dma_wait3A_81 = arith.constant 1 : i32
    %dma_wait3A_82 = arith.constant 128 : i32
    %dma_wait3A_83 = arith.constant 0 : i32
    %dma_wait3A_84 = tpu.memref_slice %arg14[%dma_wait3A_82, %dma_wait3A_83] : memref<640x16xf32, #tpu.memory_space<vmem>> -> memref<128x16xf32, #tpu.memory_space<vmem>>
    %dma_wait3A_85 = arith.constant 0 : i32
    %dma_wait3A_86 = tpu.memref_slice %arg15[%dma_wait3A_81, %dma_wait3A_85] : memref<5x128xi32, #tpu.memory_space<vmem>> -> memref<1x128xi32, #tpu.memory_space<vmem>>
    %dma_wait3A_87 = tpu.memref_squeeze %dma_wait3A_86 : memref<1x128xi32, #tpu.memory_space<vmem>> -> memref<128xi32, #tpu.memory_space<vmem>>
    %dma_wait3A_88 = arith.constant 0 : i32
    %dma_wait3A_89 = arith.constant 0 : i32
    %dma_wait3A_90 = tpu.memref_slice %arg17[%dma_wait3A_88, %dma_wait3A_89] : memref<640x16xf32, #tpu.memory_space<vmem_shared>> -> memref<640x16xf32, #tpu.memory_space<vmem_shared>>
    tpu.wait_indirect_dma semaphore(%arg22 : memref<!tpu.dma_semaphore, #tpu.memory_space<semaphore_mem>>) src(%dma_wait3A_84 : memref<128x16xf32, #tpu.memory_space<vmem>>) dst(%dma_wait3A_90 : memref<640x16xf32, #tpu.memory_space<vmem_shared>>)
    %dma_wait3A_91 = arith.constant 2 : i32
    %dma_wait3A_92 = arith.constant 256 : i32
    %dma_wait3A_93 = arith.constant 0 : i32
    %dma_wait3A_94 = tpu.memref_slice %arg14[%dma_wait3A_92, %dma_wait3A_93] : memref<640x16xf32, #tpu.memory_space<vmem>> -> memref<128x16xf32, #tpu.memory_space<vmem>>
    %dma_wait3A_95 = arith.constant 0 : i32
    %dma_wait3A_96 = tpu.memref_slice %arg15[%dma_wait3A_91, %dma_wait3A_95] : memref<5x128xi32, #tpu.memory_space<vmem>> -> memref<1x128xi32, #tpu.memory_space<vmem>>
    %dma_wait3A_97 = tpu.memref_squeeze %dma_wait3A_96 : memref<1x128xi32, #tpu.memory_space<vmem>> -> memref<128xi32, #tpu.memory_space<vmem>>
    %dma_wait3A_98 = arith.constant 0 : i32
    %dma_wait3A_99 = arith.constant 0 : i32
    %dma_wait3A_100 = tpu.memref_slice %arg17[%dma_wait3A_98, %dma_wait3A_99] : memref<640x16xf32, #tpu.memory_space<vmem_shared>> -> memref<640x16xf32, #tpu.memory_space<vmem_shared>>
    tpu.wait_indirect_dma semaphore(%arg22 : memref<!tpu.dma_semaphore, #tpu.memory_space<semaphore_mem>>) src(%dma_wait3A_94 : memref<128x16xf32, #tpu.memory_space<vmem>>) dst(%dma_wait3A_100 : memref<640x16xf32, #tpu.memory_space<vmem_shared>>)
    %dma_wait3A_101 = arith.constant 3 : i32
    %dma_wait3A_102 = arith.constant 384 : i32
    %dma_wait3A_103 = arith.constant 0 : i32
    %dma_wait3A_104 = tpu.memref_slice %arg14[%dma_wait3A_102, %dma_wait3A_103] : memref<640x16xf32, #tpu.memory_space<vmem>> -> memref<128x16xf32, #tpu.memory_space<vmem>>
    %dma_wait3A_105 = arith.constant 0 : i32
    %dma_wait3A_106 = tpu.memref_slice %arg15[%dma_wait3A_101, %dma_wait3A_105] : memref<5x128xi32, #tpu.memory_space<vmem>> -> memref<1x128xi32, #tpu.memory_space<vmem>>
    %dma_wait3A_107 = tpu.memref_squeeze %dma_wait3A_106 : memref<1x128xi32, #tpu.memory_space<vmem>> -> memref<128xi32, #tpu.memory_space<vmem>>
    %dma_wait3A_108 = arith.constant 0 : i32
    %dma_wait3A_109 = arith.constant 0 : i32
    %dma_wait3A_110 = tpu.memref_slice %arg17[%dma_wait3A_108, %dma_wait3A_109] : memref<640x16xf32, #tpu.memory_space<vmem_shared>> -> memref<640x16xf32, #tpu.memory_space<vmem_shared>>
    tpu.wait_indirect_dma semaphore(%arg22 : memref<!tpu.dma_semaphore, #tpu.memory_space<semaphore_mem>>) src(%dma_wait3A_104 : memref<128x16xf32, #tpu.memory_space<vmem>>) dst(%dma_wait3A_110 : memref<640x16xf32, #tpu.memory_space<vmem_shared>>)
    %dma_wait3A_111 = arith.constant 4 : i32
    %dma_wait3A_112 = arith.constant 512 : i32
    %dma_wait3A_113 = arith.constant 0 : i32
    %dma_wait3A_114 = tpu.memref_slice %arg14[%dma_wait3A_112, %dma_wait3A_113] : memref<640x16xf32, #tpu.memory_space<vmem>> -> memref<128x16xf32, #tpu.memory_space<vmem>>
    %dma_wait3A_115 = arith.constant 0 : i32
    %dma_wait3A_116 = tpu.memref_slice %arg15[%dma_wait3A_111, %dma_wait3A_115] : memref<5x128xi32, #tpu.memory_space<vmem>> -> memref<1x128xi32, #tpu.memory_space<vmem>>
    %dma_wait3A_117 = tpu.memref_squeeze %dma_wait3A_116 : memref<1x128xi32, #tpu.memory_space<vmem>> -> memref<128xi32, #tpu.memory_space<vmem>>
    %dma_wait3A_118 = arith.constant 0 : i32
    %dma_wait3A_119 = arith.constant 0 : i32
    %dma_wait3A_120 = tpu.memref_slice %arg17[%dma_wait3A_118, %dma_wait3A_119] : memref<640x16xf32, #tpu.memory_space<vmem_shared>> -> memref<640x16xf32, #tpu.memory_space<vmem_shared>>
    tpu.wait_indirect_dma semaphore(%arg22 : memref<!tpu.dma_semaphore, #tpu.memory_space<semaphore_mem>>) src(%dma_wait3A_114 : memref<128x16xf32, #tpu.memory_space<vmem>>) dst(%dma_wait3A_120 : memref<640x16xf32, #tpu.memory_space<vmem_shared>>)
    %barrier3A_121 = arith.constant 0 : index
    tpu.barrier barrier_id(%barrier3A_121)
    %mul3A_122 = arith.constant 640 : i32
    %mul3A_123 = arith.muli %arg1, %mul3A_122 : i32
    %mul3A_124 = arith.constant 640 : i32
    %mul3A_125 = arith.muli %arg1, %mul3A_124 : i32
    "tpu.region"() ({
      %run_scoped3A = tpu.sem_alloc : memref<!tpu.dma_semaphore, #tpu.memory_space<semaphore_mem>>
      %dma_start3A_130 = arith.constant 0 : i32
      %dma_start3A_131 = tpu.memref_slice %arg8[%arg0, %mul3A_125, %dma_start3A_130] : memref<2x10240x128xf32, #tpu.memory_space<hbm>> -> memref<1x640x128xf32, #tpu.memory_space<hbm>>
      %dma_start3A_132 = tpu.memref_squeeze %dma_start3A_131 : memref<1x640x128xf32, #tpu.memory_space<hbm>> -> memref<640x128xf32, #tpu.memory_space<hbm>>
      %dma_start3A_133 = arith.constant 0 : i32
      %dma_start3A_134 = tpu.memref_slice %arg16[%mul3A_123, %dma_start3A_133] : memref<10240x128xf32, #tpu.memory_space<vmem_shared>> -> memref<640x128xf32, #tpu.memory_space<vmem_shared>>
      tpu.enqueue_dma source(%dma_start3A_134 : memref<640x128xf32, #tpu.memory_space<vmem_shared>>) target(%dma_start3A_132 : memref<640x128xf32, #tpu.memory_space<hbm>>) target_semaphore(%run_scoped3A : memref<!tpu.dma_semaphore, #tpu.memory_space<semaphore_mem>>)
      %dma_wait3A_135 = arith.constant 0 : i32
      %dma_wait3A_136 = tpu.memref_slice %arg8[%arg0, %mul3A_125, %dma_wait3A_135] : memref<2x10240x128xf32, #tpu.memory_space<hbm>> -> memref<1x640x128xf32, #tpu.memory_space<hbm>>
      %dma_wait3A_137 = tpu.memref_squeeze %dma_wait3A_136 : memref<1x640x128xf32, #tpu.memory_space<hbm>> -> memref<640x128xf32, #tpu.memory_space<hbm>>
      %dma_wait3A_138 = arith.constant 0 : i32
      %dma_wait3A_139 = tpu.memref_slice %arg16[%mul3A_123, %dma_wait3A_138] : memref<10240x128xf32, #tpu.memory_space<vmem_shared>> -> memref<640x128xf32, #tpu.memory_space<vmem_shared>>
      tpu.wait_dma2 semaphore(%run_scoped3A : memref<!tpu.dma_semaphore, #tpu.memory_space<semaphore_mem>>) src(%dma_wait3A_139 : memref<640x128xf32, #tpu.memory_space<vmem_shared>>) dst(%dma_wait3A_137 : memref<640x128xf32, #tpu.memory_space<hbm>>)
      tpu.yield
    }) : () -> ()
    %mul3A_126 = arith.constant 40 : i32
    %mul3A_127 = arith.muli %arg1, %mul3A_126 : i32
    %mul3A_128 = arith.constant 40 : i32
    %mul3A_129 = arith.muli %arg1, %mul3A_128 : i32
    "tpu.region"() ({
      %run_scoped3A = tpu.sem_alloc : memref<!tpu.dma_semaphore, #tpu.memory_space<semaphore_mem>>
      %dma_start3A_130 = arith.constant 0 : i32
      %dma_start3A_131 = tpu.memref_slice %arg9[%arg0, %mul3A_129, %dma_start3A_130] : memref<2x640x16xf32, #tpu.memory_space<hbm>> -> memref<1x40x16xf32, #tpu.memory_space<hbm>>
      %dma_start3A_132 = tpu.memref_squeeze %dma_start3A_131 : memref<1x40x16xf32, #tpu.memory_space<hbm>> -> memref<40x16xf32, #tpu.memory_space<hbm>>
      %dma_start3A_133 = arith.constant 0 : i32
      %dma_start3A_134 = tpu.memref_slice %arg17[%mul3A_127, %dma_start3A_133] : memref<640x16xf32, #tpu.memory_space<vmem_shared>> -> memref<40x16xf32, #tpu.memory_space<vmem_shared>>
      tpu.enqueue_dma source(%dma_start3A_134 : memref<40x16xf32, #tpu.memory_space<vmem_shared>>) target(%dma_start3A_132 : memref<40x16xf32, #tpu.memory_space<hbm>>) target_semaphore(%run_scoped3A : memref<!tpu.dma_semaphore, #tpu.memory_space<semaphore_mem>>)
      %dma_wait3A_135 = arith.constant 0 : i32
      %dma_wait3A_136 = tpu.memref_slice %arg9[%arg0, %mul3A_129, %dma_wait3A_135] : memref<2x640x16xf32, #tpu.memory_space<hbm>> -> memref<1x40x16xf32, #tpu.memory_space<hbm>>
      %dma_wait3A_137 = tpu.memref_squeeze %dma_wait3A_136 : memref<1x40x16xf32, #tpu.memory_space<hbm>> -> memref<40x16xf32, #tpu.memory_space<hbm>>
      %dma_wait3A_138 = arith.constant 0 : i32
      %dma_wait3A_139 = tpu.memref_slice %arg17[%mul3A_127, %dma_wait3A_138] : memref<640x16xf32, #tpu.memory_space<vmem_shared>> -> memref<40x16xf32, #tpu.memory_space<vmem_shared>>
      tpu.wait_dma2 semaphore(%run_scoped3A : memref<!tpu.dma_semaphore, #tpu.memory_space<semaphore_mem>>) src(%dma_wait3A_139 : memref<40x16xf32, #tpu.memory_space<vmem_shared>>) dst(%dma_wait3A_137 : memref<40x16xf32, #tpu.memory_space<hbm>>)
      tpu.yield
    }) : () -> ()
    return
  }
}

module attributes {stable_mosaic.version = 14 : i64} {
  func.func @_linear_body(%arg0: i32, %arg1: memref<1000x128xf32, #tpu.memory_space<vmem>>, %arg2: memref<128x128xf32, #tpu.memory_space<vmem>>, %arg3: memref<1x128xf32, #tpu.memory_space<vmem>>, %arg4: memref<1000x128xf32, #tpu.memory_space<vmem>>) attributes {dimension_semantics = [#tpu.dimension_semantics<arbitrary>], iteration_bounds = array<i64: 10>, scalar_prefetch = 0 : i64, scratch_operands = 0 : i64, tpu.core_type = #tpu.core_type<tc>, window_params = [{transform_indices = @transform_0, window_bounds = array<i64: 1000, 128>}, {pipeline_mode = #tpu.pipeline_mode<synchronous>, transform_indices = @transform_1, window_bounds = array<i64: 128, 128>}, {pipeline_mode = #tpu.pipeline_mode<synchronous>, transform_indices = @transform_2, window_bounds = array<i64: 1, 128>}, {transform_indices = @transform_3, window_bounds = array<i64: 1000, 128>}]} {
    %get3A = arith.constant 0 : index
    %get3A_0 = arith.constant 0 : index
    %get3A_1 = vector.load %arg1[%get3A, %get3A_0] : memref<1000x128xf32, #tpu.memory_space<vmem>>, vector<1000x128xf32>
    %get3A_2 = arith.constant 0 : index
    %get3A_3 = arith.constant 0 : index
    %get3A_4 = vector.load %arg2[%get3A_2, %get3A_3] : memref<128x128xf32, #tpu.memory_space<vmem>>, vector<128x128xf32>
    %dot_general3A = arith.constant dense<0.000000e+00> : vector<1000x128xf32>
    %dot_general3A_5 = tpu.matmul %get3A_1, %get3A_4, %dot_general3A {dimension_numbers = #tpu.dot_dimension_numbers<[1], [1], [0], [0], [0, 0, 1, 0], [], []>, transpose_lhs_hint = false} : vector<1000x128xf32>, vector<128x128xf32>, vector<1000x128xf32> -> vector<1000x128xf32>
    %get3A_6 = arith.constant 0 : index
    %get3A_7 = arith.constant 0 : index
    %get3A_8 = vector.load %arg3[%get3A_6, %get3A_7] : memref<1x128xf32, #tpu.memory_space<vmem>>, vector<1x128xf32>
    %add3A = vector.broadcast %get3A_8 : vector<1x128xf32> to vector<1000x128xf32>
    %add3A_9 = arith.addf %dot_general3A_5, %add3A : vector<1000x128xf32>
    %swap3A = arith.constant 0 : index
    %swap3A_10 = arith.constant 0 : index
    %swap3A_11 = vector.load %arg4[%swap3A, %swap3A_10] : memref<1000x128xf32, #tpu.memory_space<vmem>>, vector<1000x128xf32>
    tpu.vector_store %arg4[%swap3A, %swap3A_10], %add3A_9 {strides = array<i32>} : memref<1000x128xf32, #tpu.memory_space<vmem>>, vector<1000x128xf32>,
    return
  }
  func.func @transform_0(%arg0: i32) -> (i32, i32) {
    %c0_i32 = arith.constant 0 : i32
    %c0_i32_0 = arith.constant 0 : i32
    return %arg0, %c0_i32 : i32, i32
  }
  func.func @transform_1(%arg0: i32) -> (i32, i32) {
    %c0_i32 = arith.constant 0 : i32
    %c0_i32_0 = arith.constant 0 : i32
    %c0_i32_1 = arith.constant 0 : i32
    return %c0_i32, %c0_i32_0 : i32, i32
  }
  func.func @transform_2(%arg0: i32) -> (i32, i32) {
    %c0_i32 = arith.constant 0 : i32
    %c0_i32_0 = arith.constant 0 : i32
    %c0_i32_1 = arith.constant 0 : i32
    return %c0_i32, %c0_i32_0 : i32, i32
  }
  func.func @transform_3(%arg0: i32) -> (i32, i32) {
    %c0_i32 = arith.constant 0 : i32
    %c0_i32_0 = arith.constant 0 : i32
    return %arg0, %c0_i32 : i32, i32
  }
}

module attributes {stable_mosaic.version = 14 : i64} {
  func.func @_gru_body(%arg0: i32, %arg1: memref<1024x128xf32, #tpu.memory_space<vmem>>, %arg2: memref<1024x128xf32, #tpu.memory_space<vmem>>, %arg3: memref<2x1024x128xf32, #tpu.memory_space<vmem>>, %arg4: memref<2x1024x1xf32, #tpu.memory_space<vmem>>, %arg5: memref<128x128xf32, #tpu.memory_space<vmem>>, %arg6: memref<1x128xf32, #tpu.memory_space<vmem>>, %arg7: memref<384x128xf32, #tpu.memory_space<vmem>>, %arg8: memref<384x128xf32, #tpu.memory_space<vmem>>, %arg9: memref<1x384xf32, #tpu.memory_space<vmem>>, %arg10: memref<1x384xf32, #tpu.memory_space<vmem>>, %arg11: memref<1024x128xf32, #tpu.memory_space<vmem>>) attributes {dimension_semantics = [#tpu.dimension_semantics<arbitrary>], iteration_bounds = array<i64: 10>, scalar_prefetch = 0 : i64, scratch_operands = 0 : i64, tpu.core_type = #tpu.core_type<tc>, window_params = [{transform_indices = @transform_0, window_bounds = array<i64: 1024, 128>}, {transform_indices = @transform_1, window_bounds = array<i64: 1024, 128>}, {transform_indices = @transform_2, window_bounds = array<i64: 2, 1024, 128>}, {transform_indices = @transform_3, window_bounds = array<i64: 2, 1024, 1>}, {pipeline_mode = #tpu.pipeline_mode<synchronous>, transform_indices = @transform_4, window_bounds = array<i64: 128, 128>}, {pipeline_mode = #tpu.pipeline_mode<synchronous>, transform_indices = @transform_5, window_bounds = array<i64: 1, 128>}, {pipeline_mode = #tpu.pipeline_mode<synchronous>, transform_indices = @transform_6, window_bounds = array<i64: 384, 128>}, {pipeline_mode = #tpu.pipeline_mode<synchronous>, transform_indices = @transform_7, window_bounds = array<i64: 384, 128>}, {pipeline_mode = #tpu.pipeline_mode<synchronous>, transform_indices = @transform_8, window_bounds = array<i64: 1, 384>}, {pipeline_mode = #tpu.pipeline_mode<synchronous>, transform_indices = @transform_9, window_bounds = array<i64: 1, 384>}, {transform_indices = @transform_10, window_bounds = array<i64: 1024, 128>}]} {
    %get3A = arith.constant 0 : index
    %get3A_0 = arith.constant 0 : index
    %get3A_1 = vector.load %arg2[%get3A, %get3A_0] : memref<1024x128xf32, #tpu.memory_space<vmem>>, vector<1024x128xf32>
    %get3A_2 = arith.constant 0 : index
    %get3A_3 = arith.constant 0 : index
    %get3A_4 = arith.constant 0 : index
    %get3A_5 = vector.load %arg3[%get3A_2, %get3A_3, %get3A_4] : memref<2x1024x128xf32, #tpu.memory_space<vmem>>, vector<1x1024x128xf32>
    %get3A_6 = vector.shape_cast %get3A_5 : vector<1x1024x128xf32> to vector<1024x128xf32>
    %get3A_7 = arith.constant 1 : index
    %get3A_8 = arith.constant 0 : index
    %get3A_9 = arith.constant 0 : index
    %get3A_10 = vector.load %arg3[%get3A_7, %get3A_8, %get3A_9] : memref<2x1024x128xf32, #tpu.memory_space<vmem>>, vector<1x1024x128xf32>
    %get3A_11 = vector.shape_cast %get3A_10 : vector<1x1024x128xf32> to vector<1024x128xf32>
    %add3A = arith.addf %get3A_6, %get3A_11 : vector<1024x128xf32>
    %get3A_12 = arith.constant 0 : index
    %get3A_13 = arith.constant 0 : index
    %get3A_14 = vector.load %arg1[%get3A_12, %get3A_13] : memref<1024x128xf32, #tpu.memory_space<vmem>>, vector<1024x128xf32>
    %add3A_15 = arith.addf %add3A, %get3A_14 : vector<1024x128xf32>
    %get3A_16 = arith.constant 0 : index
    %get3A_17 = arith.constant 0 : index
    %get3A_18 = arith.constant 0 : index
    %get3A_19 = vector.load %arg4[%get3A_16, %get3A_17, %get3A_18] : memref<2x1024x1xf32, #tpu.memory_space<vmem>>, vector<1x1024x1xf32>
    %get3A_20 = vector.shape_cast %get3A_19 : vector<1x1024x1xf32> to vector<1024x1xf32>
    %get3A_21 = arith.constant 1 : index
    %get3A_22 = arith.constant 0 : index
    %get3A_23 = arith.constant 0 : index
    %get3A_24 = vector.load %arg4[%get3A_21, %get3A_22, %get3A_23] : memref<2x1024x1xf32, #tpu.memory_space<vmem>>, vector<1x1024x1xf32>
    %get3A_25 = vector.shape_cast %get3A_24 : vector<1x1024x1xf32> to vector<1024x1xf32>
    %add3A_26 = arith.addf %get3A_20, %get3A_25 : vector<1024x1xf32>
    %add3A_27 = arith.constant 1.000000e+00 : f32
    %add3A_28 = vector.broadcast %add3A_27 : f32 to vector<1024x1xf32>
    %add3A_29 = arith.addf %add3A_26, %add3A_28 : vector<1024x1xf32>
    %div3A = vector.broadcast %add3A_29 : vector<1024x1xf32> to vector<1024x128xf32>
    %div3A_30 = arith.divf %add3A_15, %div3A : vector<1024x128xf32>
    %get3A_31 = arith.constant 0 : index
    %get3A_32 = arith.constant 0 : index
    %get3A_33 = vector.load %arg5[%get3A_31, %get3A_32] : memref<128x128xf32, #tpu.memory_space<vmem>>, vector<128x128xf32>
    %dot_general3A = arith.constant dense<0.000000e+00> : vector<1024x128xf32>
    %dot_general3A_34 = tpu.matmul %div3A_30, %get3A_33, %dot_general3A {dimension_numbers = #tpu.dot_dimension_numbers<[1], [1], [0], [0], [0, 0, 1, 0], [], []>, transpose_lhs_hint = false} : vector<1024x128xf32>, vector<128x128xf32>, vector<1024x128xf32> -> vector<1024x128xf32>
    %get3A_35 = arith.constant 0 : index
    %get3A_36 = arith.constant 0 : index
    %get3A_37 = vector.load %arg6[%get3A_35, %get3A_36] : memref<1x128xf32, #tpu.memory_space<vmem>>, vector<1x128xf32>
    %add3A_38 = vector.broadcast %get3A_37 : vector<1x128xf32> to vector<1024x128xf32>
    %add3A_39 = arith.addf %dot_general3A_34, %add3A_38 : vector<1024x128xf32>
    %get3A_40 = arith.constant 0 : index
    %get3A_41 = arith.constant 0 : index
    %get3A_42 = vector.load %arg7[%get3A_40, %get3A_41] : memref<384x128xf32, #tpu.memory_space<vmem>>, vector<384x128xf32>
    %get3A_43 = arith.constant 0 : index
    %get3A_44 = arith.constant 0 : index
    %get3A_45 = vector.load %arg8[%get3A_43, %get3A_44] : memref<384x128xf32, #tpu.memory_space<vmem>>, vector<384x128xf32>
    %get3A_46 = arith.constant 0 : index
    %get3A_47 = arith.constant 0 : index
    %get3A_48 = vector.load %arg9[%get3A_46, %get3A_47] : memref<1x384xf32, #tpu.memory_space<vmem>>, vector<1x384xf32>
    %get3A_49 = arith.constant 0 : index
    %get3A_50 = arith.constant 0 : index
    %get3A_51 = vector.load %arg10[%get3A_49, %get3A_50] : memref<1x384xf32, #tpu.memory_space<vmem>>, vector<1x384xf32>
    %dot_general3A_52 = arith.constant dense<0.000000e+00> : vector<1024x384xf32>
    %dot_general3A_53 = tpu.matmul %add3A_39, %get3A_42, %dot_general3A_52 {dimension_numbers = #tpu.dot_dimension_numbers<[1], [1], [0], [0], [0, 0, 1, 0], [], []>, transpose_lhs_hint = false} : vector<1024x128xf32>, vector<384x128xf32>, vector<1024x384xf32> -> vector<1024x384xf32>
    %add3A_54 = vector.broadcast %get3A_48 : vector<1x384xf32> to vector<1024x384xf32>
    %add3A_55 = arith.addf %dot_general3A_53, %add3A_54 : vector<1024x384xf32>
    %slice3A = vector.extract_strided_slice %add3A_55 {offsets = [0, 128], sizes = [1024, 128], strides = [1, 1]} : vector<1024x384xf32> to vector<1024x128xf32>
    %slice3A_56 = vector.extract_strided_slice %get3A_51 {offsets = [0, 128], sizes = [1, 128], strides = [1, 1]} : vector<1x384xf32> to vector<1x128xf32>
    %add3A_57 = vector.broadcast %slice3A_56 : vector<1x128xf32> to vector<1024x128xf32>
    %add3A_58 = arith.addf %slice3A, %add3A_57 : vector<1024x128xf32>
    %logistic3A = arith.negf %add3A_58 : vector<1024x128xf32>
    %logistic3A_59 = math.exp %logistic3A : vector<1024x128xf32>
    %logistic3A_60 = arith.constant 1.000000e+00 : f32
    %logistic3A_61 = vector.broadcast %logistic3A_60 : f32 to vector<1024x128xf32>
    %logistic3A_62 = arith.addf %logistic3A_61, %logistic3A_59 : vector<1024x128xf32>
    %logistic3A_63 = arith.divf %logistic3A_61, %logistic3A_62 : vector<1024x128xf32>
    %slice3A_64 = vector.extract_strided_slice %add3A_55 {offsets = [0, 0], sizes = [1024, 128], strides = [1, 1]} : vector<1024x384xf32> to vector<1024x128xf32>
    %slice3A_65 = vector.extract_strided_slice %get3A_51 {offsets = [0, 0], sizes = [1, 128], strides = [1, 1]} : vector<1x384xf32> to vector<1x128xf32>
    %add3A_66 = vector.broadcast %slice3A_65 : vector<1x128xf32> to vector<1024x128xf32>
    %add3A_67 = arith.addf %slice3A_64, %add3A_66 : vector<1024x128xf32>
    %logistic3A_68 = arith.negf %add3A_67 : vector<1024x128xf32>
    %logistic3A_69 = math.exp %logistic3A_68 : vector<1024x128xf32>
    %logistic3A_70 = arith.constant 1.000000e+00 : f32
    %logistic3A_71 = vector.broadcast %logistic3A_70 : f32 to vector<1024x128xf32>
    %logistic3A_72 = arith.addf %logistic3A_71, %logistic3A_69 : vector<1024x128xf32>
    %logistic3A_73 = arith.divf %logistic3A_71, %logistic3A_72 : vector<1024x128xf32>
    %slice3A_74 = vector.extract_strided_slice %add3A_55 {offsets = [0, 256], sizes = [1024, 128], strides = [1, 1]} : vector<1024x384xf32> to vector<1024x128xf32>
    %slice3A_75 = vector.extract_strided_slice %get3A_51 {offsets = [0, 256], sizes = [1, 128], strides = [1, 1]} : vector<1x384xf32> to vector<1x128xf32>
    %mul3A = vector.broadcast %slice3A_75 : vector<1x128xf32> to vector<1024x128xf32>
    %mul3A_76 = arith.mulf %logistic3A_73, %mul3A : vector<1024x128xf32>
    %add3A_77 = arith.addf %slice3A_74, %mul3A_76 : vector<1024x128xf32>
    %tanh3A = math.tanh %add3A_77 : vector<1024x128xf32>
    %sub3A = arith.constant 1.000000e+00 : f32
    %sub3A_78 = vector.broadcast %sub3A : f32 to vector<1024x128xf32>
    %sub3A_79 = arith.subf %sub3A_78, %logistic3A_63 : vector<1024x128xf32>
    %mul3A_80 = arith.mulf %sub3A_79, %tanh3A : vector<1024x128xf32>
    %dot_general3A_81 = arith.constant dense<0.000000e+00> : vector<1024x384xf32>
    %dot_general3A_82 = tpu.matmul %get3A_1, %get3A_42, %dot_general3A_81 {dimension_numbers = #tpu.dot_dimension_numbers<[1], [1], [0], [0], [0, 0, 1, 0], [], []>, transpose_lhs_hint = false} : vector<1024x128xf32>, vector<384x128xf32>, vector<1024x384xf32> -> vector<1024x384xf32>
    %add3A_83 = vector.broadcast %get3A_48 : vector<1x384xf32> to vector<1024x384xf32>
    %add3A_84 = arith.addf %dot_general3A_82, %add3A_83 : vector<1024x384xf32>
    %dot_general3A_85 = arith.constant dense<0.000000e+00> : vector<1024x384xf32>
    %dot_general3A_86 = tpu.matmul %mul3A_80, %get3A_45, %dot_general3A_85 {dimension_numbers = #tpu.dot_dimension_numbers<[1], [1], [0], [0], [0, 0, 1, 0], [], []>, transpose_lhs_hint = false} : vector<1024x128xf32>, vector<384x128xf32>, vector<1024x384xf32> -> vector<1024x384xf32>
    %add3A_87 = vector.broadcast %get3A_51 : vector<1x384xf32> to vector<1024x384xf32>
    %add3A_88 = arith.addf %dot_general3A_86, %add3A_87 : vector<1024x384xf32>
    %slice3A_89 = vector.extract_strided_slice %add3A_84 {offsets = [0, 0], sizes = [1024, 128], strides = [1, 1]} : vector<1024x384xf32> to vector<1024x128xf32>
    %slice3A_90 = vector.extract_strided_slice %add3A_88 {offsets = [0, 0], sizes = [1024, 128], strides = [1, 1]} : vector<1024x384xf32> to vector<1024x128xf32>
    %add3A_91 = arith.addf %slice3A_89, %slice3A_90 : vector<1024x128xf32>
    %logistic3A_92 = arith.negf %add3A_91 : vector<1024x128xf32>
    %logistic3A_93 = math.exp %logistic3A_92 : vector<1024x128xf32>
    %logistic3A_94 = arith.constant 1.000000e+00 : f32
    %logistic3A_95 = vector.broadcast %logistic3A_94 : f32 to vector<1024x128xf32>
    %logistic3A_96 = arith.addf %logistic3A_95, %logistic3A_93 : vector<1024x128xf32>
    %logistic3A_97 = arith.divf %logistic3A_95, %logistic3A_96 : vector<1024x128xf32>
    %slice3A_98 = vector.extract_strided_slice %add3A_84 {offsets = [0, 128], sizes = [1024, 128], strides = [1, 1]} : vector<1024x384xf32> to vector<1024x128xf32>
    %slice3A_99 = vector.extract_strided_slice %add3A_88 {offsets = [0, 128], sizes = [1024, 128], strides = [1, 1]} : vector<1024x384xf32> to vector<1024x128xf32>
    %add3A_100 = arith.addf %slice3A_98, %slice3A_99 : vector<1024x128xf32>
    %logistic3A_101 = arith.negf %add3A_100 : vector<1024x128xf32>
    %logistic3A_102 = math.exp %logistic3A_101 : vector<1024x128xf32>
    %logistic3A_103 = arith.constant 1.000000e+00 : f32
    %logistic3A_104 = vector.broadcast %logistic3A_103 : f32 to vector<1024x128xf32>
    %logistic3A_105 = arith.addf %logistic3A_104, %logistic3A_102 : vector<1024x128xf32>
    %logistic3A_106 = arith.divf %logistic3A_104, %logistic3A_105 : vector<1024x128xf32>
    %slice3A_107 = vector.extract_strided_slice %add3A_84 {offsets = [0, 256], sizes = [1024, 128], strides = [1, 1]} : vector<1024x384xf32> to vector<1024x128xf32>
    %slice3A_108 = vector.extract_strided_slice %add3A_88 {offsets = [0, 256], sizes = [1024, 128], strides = [1, 1]} : vector<1024x384xf32> to vector<1024x128xf32>
    %mul3A_109 = arith.mulf %logistic3A_97, %slice3A_108 : vector<1024x128xf32>
    %add3A_110 = arith.addf %slice3A_107, %mul3A_109 : vector<1024x128xf32>
    %tanh3A_111 = math.tanh %add3A_110 : vector<1024x128xf32>
    %sub3A_112 = arith.constant 1.000000e+00 : f32
    %sub3A_113 = vector.broadcast %sub3A_112 : f32 to vector<1024x128xf32>
    %sub3A_114 = arith.subf %sub3A_113, %logistic3A_106 : vector<1024x128xf32>
    %mul3A_115 = arith.mulf %sub3A_114, %tanh3A_111 : vector<1024x128xf32>
    %mul3A_116 = arith.mulf %logistic3A_106, %mul3A_80 : vector<1024x128xf32>
    %add3A_117 = arith.addf %mul3A_115, %mul3A_116 : vector<1024x128xf32>
    %swap3A = arith.constant 0 : index
    %swap3A_118 = arith.constant 0 : index
    %swap3A_119 = vector.load %arg11[%swap3A, %swap3A_118] : memref<1024x128xf32, #tpu.memory_space<vmem>>, vector<1024x128xf32>
    tpu.vector_store %arg11[%swap3A, %swap3A_118], %add3A_117 {strides = array<i32>} : memref<1024x128xf32, #tpu.memory_space<vmem>>, vector<1024x128xf32>,
    return
  }
  func.func @transform_0(%arg0: i32) -> (i32, i32) {
    %c0_i32 = arith.constant 0 : i32
    %c0_i32_0 = arith.constant 0 : i32
    return %arg0, %c0_i32 : i32, i32
  }
  func.func @transform_1(%arg0: i32) -> (i32, i32) {
    %c0_i32 = arith.constant 0 : i32
    %c0_i32_0 = arith.constant 0 : i32
    return %arg0, %c0_i32 : i32, i32
  }
  func.func @transform_2(%arg0: i32) -> (i32, i32, i32) {
    %c0_i32 = arith.constant 0 : i32
    %c0_i32_0 = arith.constant 0 : i32
    %c0_i32_1 = arith.constant 0 : i32
    return %c0_i32, %arg0, %c0_i32_0 : i32, i32, i32
  }
  func.func @transform_3(%arg0: i32) -> (i32, i32, i32) {
    %c0_i32 = arith.constant 0 : i32
    %c0_i32_0 = arith.constant 0 : i32
    %c0_i32_1 = arith.constant 0 : i32
    return %c0_i32, %arg0, %c0_i32_0 : i32, i32, i32
  }
  func.func @transform_4(%arg0: i32) -> (i32, i32) {
    %c0_i32 = arith.constant 0 : i32
    %c0_i32_0 = arith.constant 0 : i32
    %c0_i32_1 = arith.constant 0 : i32
    return %c0_i32, %c0_i32_0 : i32, i32
  }
  func.func @transform_5(%arg0: i32) -> (i32, i32) {
    %c0_i32 = arith.constant 0 : i32
    %c0_i32_0 = arith.constant 0 : i32
    %c0_i32_1 = arith.constant 0 : i32
    return %c0_i32, %c0_i32_0 : i32, i32
  }
  func.func @transform_6(%arg0: i32) -> (i32, i32) {
    %c0_i32 = arith.constant 0 : i32
    %c0_i32_0 = arith.constant 0 : i32
    %c0_i32_1 = arith.constant 0 : i32
    return %c0_i32, %c0_i32_0 : i32, i32
  }
  func.func @transform_7(%arg0: i32) -> (i32, i32) {
    %c0_i32 = arith.constant 0 : i32
    %c0_i32_0 = arith.constant 0 : i32
    %c0_i32_1 = arith.constant 0 : i32
    return %c0_i32, %c0_i32_0 : i32, i32
  }
  func.func @transform_8(%arg0: i32) -> (i32, i32) {
    %c0_i32 = arith.constant 0 : i32
    %c0_i32_0 = arith.constant 0 : i32
    %c0_i32_1 = arith.constant 0 : i32
    return %c0_i32, %c0_i32_0 : i32, i32
  }
  func.func @transform_9(%arg0: i32) -> (i32, i32) {
    %c0_i32 = arith.constant 0 : i32
    %c0_i32_0 = arith.constant 0 : i32
    %c0_i32_1 = arith.constant 0 : i32
    return %c0_i32, %c0_i32_0 : i32, i32
  }
  func.func @transform_10(%arg0: i32) -> (i32, i32) {
    %c0_i32 = arith.constant 0 : i32
    %c0_i32_0 = arith.constant 0 : i32
    return %arg0, %c0_i32 : i32, i32
  }
}

</mosaic_0001>

<sc_bundles>
// kernel: kernel.5.cloned.1.call-start
scs
__scs_entry_jumppad:
0x0: {  	(pc) =	sbr.rel $0x88, $3  }
0x1: {  	(tag) =	ssettag $0x0;
	lr =	simm.s32 $0x1  }
0x2: {  	[smem:$0x3F99] =	sst lr;
	_ =	strace $0xD0000000  }
0x3: {  	_ = 	snop  }
0x4: {  	_ = 	snop  }
0x5: {  	_ = 	snop  }
0x6: {  	_ = 	snop  }
0x7: {  	_ = 	snop  }
__scs_overlays_trampoline_lowered:
0x8: {  	[smem:$0x3FA8] =	sst s0  }
0x9: {  	[smem:$0x3FA9] =	sst s1  }
0xa: {  	[smem:$0x3FAA] =	sst s2  }
0xb: {  	[smem:$0x3FAB] =	sst s3  }
0xc: {  	[smem:$0x3FAC] =	sst s4  }
0xd: {  	[smem:$0x3FAD] =	sst s5  }
0xe: {  	[smem:$0x3FAE] =	sst s6  }
0xf: {  	[smem:$0x3FAF] =	sst s7  }
0x10: {  	[smem:$0x3FB0] =	sst s8  }
0x11: {  	[smem:$0x3FB1] =	sst s9;
	s0 =	simm.s32 @!p0 $0x0  }
0x12: {  	s1 =	sld [smem:$0x3F97];
	s0 =	simm.s32 @p0 $0x1  }
0x13: {  	[smem:$0x3FB2] =	sst s0;
	s0 =	simm.s32 @!p1 $0x0  }
0x14: {  	s2 =	sld [smem:$0x3F96];
	s0 =	simm.s32 @p1 $0x1  }
0x15: {  	[smem:$0x3FB3] =	sst s0;
	s0 =	simm.s32 @!p2 $0x0  }
0x16: {  	s3 =	sld [smem:$0x3FDB];
	s0 =	simm.s32 @p2 $0x1  }
0x17: {  	s4 =	simm.s32 $0x1BF5;
	[smem:$0x3FB5] =	sst s0  }
0x18: {  	s0 =	sld [smem:$0x3F98];
	_ =	swait.ge [sflag:s4], $0x0  }
0x19: {  	s7 =	sld [smem:$0x3F99]  }
0x1a: {  	s8 =	sadd.s32 $0xFFFFE003, lr  }
0x1b: {  	s9 =	sadd.s32 $0xFFFFFEF7, lr;
	s5 =	simm.s32 $0xFFFFFFFF;
	p2 =	slt.u32 s8, $0xFFFFF086  }
0x1c: {  	p1 =	slt.u32 s9, $0xF7A;
	s5 =	simm.s32 @!p2 $0x0  }
0x1d: {  	s5 =	simm.s32 @p1 $0x1;
	p0 =	seq.s32 s7, s2  }
0x1e: {  	s7 =	smul.u32 @!p0 $0xF7A, s2;
	p2 =	seq.s32 @!p0 s5, $0x0  }
0x1f: {  	s9 =	smul.u32 $0xF7A, s1;
	s8 =	simm.s32 @!p0 $0x1BF5;
	p2 =	por !p2, p0  }
0x20: {  	[sflag:s8] =	ssyncset.s32 @!p0 $0xFFFFF086;
	s6 =	sadd.s32 @!p0 s3, s7;
	s7 =	simm.s32 @!p0 $0x108  }
0x21: {  	s3 =	sadd.s32 s3, s9;
	s6 =	sadd.s32 @!p0 $0x88, s6;
	s7 =	simm.s32 @p2 $0x1082  }
0x22: {  	[simem:s7], [sflag:s8] =	dma.local @!p0 [hbm:s6], $0xF7A  }
0x23: {  	s9 =	sor.u32 $0xD0000000, s2;
	s6 =	simm.s32 $0x108;
	_ =	swait.ge @!p0 [sflag:s8], $0x0  }
0x24: {  	s3 =	sadd.s32 $0x88, s3;
	s6 =	simm.s32 @!p1 $0x1082;
	[sflag:s4] =	ssyncset.s32 $0xFFFFF086  }
0x25: {  	[simem:s6], [sflag:s4] =	dma.local [hbm:s3], $0xF7A  }
0x26: {  	[smem:$0x3F99] =	sst s1;
	(tag) =	ssettag s2;
	_ =	strace s9  }
0x27: {  	s1 =	sld [smem:$0x3FA9]  }
0x28: {  	s2 =	sld [smem:$0x3FAA]  }
0x29: {  	s4 =	sld [smem:$0x3FAC]  }
0x2a: {  	p0 =	seq.s32 s5, $0x0;
	s5 =	sld [smem:$0x3FAD]  }
0x2b: {  	s6 =	sld [smem:$0x3FAE]  }
0x2c: {  	s7 =	sld [smem:$0x3FAF]  }
0x2d: {  	s3 =	simm.s32 $0x108;
	s8 =	sld [smem:$0x3FB0]  }
0x2e: {  	s3 =	simm.s32 @!p0 $0x1082;
	s9 =	sld [smem:$0x3FB1]  }
0x2f: {  	lr =	sadd.s32 s0, s3;
	s0 =	sld [smem:$0x3FA8]  }
0x30: {  	s3 =	sld [smem:$0x3FAB]  }
0x31: {  	[smem:$0x3FB4] =	sst s10  }
0x32: {  	s10 =	sld [smem:$0x3FB2];
	_ =	sdelay $0x3  }
0x33: {  	p0 =	seq.s32 s10, $0x1;
	s10 =	sld [smem:$0x3FB4];
	_ =	sdelay $0x3  }
0x34: {  	[smem:$0x3FB4] =	sst s10  }
0x35: {  	s10 =	sld [smem:$0x3FB3];
	_ =	sdelay $0x3  }
0x36: {  	p1 =	seq.s32 s10, $0x1;
	s10 =	sld [smem:$0x3FB4];
	_ =	sdelay $0x3  }
0x37: {  	[smem:$0x3FB4] =	sst s10  }
0x38: {  	s10 =	sld [smem:$0x3FB5]  }
0x39: {  	_ = 	snop;
	(pc) =	sbr.ind lr, $3  }
0x3a: {  	_ = 	snop  }
0x3b: {  	_ = 	snop  }
0x3c: {  	p2 =	seq.s32 s10, $0x1;
	s10 =	sld [smem:$0x3FB4]  }
0x3d: {  	_ =	shalt  }
0x3e: {  	_ =	shalt  }
0x3f: {  	_ =	shalt  }
0x40: {  	_ =	shalt  }
0x41: {  	_ =	shalt  }
0x42: {  	_ =	shalt  }
0x43: {  	_ =	shalt  }
0x44: {  	_ =	shalt  }
0x45: {  	_ =	shalt  }
0x46: {  	_ =	shalt  }
0x47: {  	_ =	shalt  }
0x48: {  	_ =	shalt  }
0x49: {  	_ =	shalt  }
0x4a: {  	_ =	shalt  }
0x4b: {  	_ =	shalt  }
0x4c: {  	_ =	shalt  }
0x4d: {  	_ =	shalt  }
0x4e: {  	_ =	shalt  }
0x4f: {  	_ =	shalt  }
0x50: {  	_ =	shalt  }
0x51: {  	_ =	shalt  }
0x52: {  	_ =	shalt  }
0x53: {  	_ =	shalt  }
0x54: {  	_ =	shalt  }
0x55: {  	_ =	shalt  }
0x56: {  	_ =	shalt  }
0x57: {  	_ =	shalt  }
0x58: {  	_ =	shalt  }
0x59: {  	_ =	shalt  }
0x5a: {  	_ =	shalt  }
0x5b: {  	_ =	shalt  }
0x5c: {  	_ =	shalt  }
0x5d: {  	_ =	shalt  }
0x5e: {  	_ =	shalt  }
0x5f: {  	_ =	shalt  }
0x60: {  	_ =	shalt  }
0x61: {  	_ =	shalt  }
0x62: {  	_ =	shalt  }
0x63: {  	_ =	shalt  }
0x64: {  	_ =	shalt  }
0x65: {  	_ =	shalt  }
0x66: {  	_ =	shalt  }
0x67: {  	_ =	shalt  }
0x68: {  	_ =	shalt  }
0x69: {  	_ =	shalt  }
0x6a: {  	_ =	shalt  }
0x6b: {  	_ =	shalt  }
0x6c: {  	_ =	shalt  }
0x6d: {  	_ =	shalt  }
0x6e: {  	_ =	shalt  }
0x6f: {  	_ =	shalt  }
0x70: {  	_ =	shalt  }
0x71: {  	_ =	shalt  }
0x72: {  	_ =	shalt  }
0x73: {  	_ =	shalt  }
0x74: {  	_ =	shalt  }
0x75: {  	_ =	shalt  }
0x76: {  	_ =	shalt  }
0x77: {  	_ =	shalt  }
0x78: {  	_ =	shalt  }
0x79: {  	_ =	shalt  }
0x7a: {  	_ =	shalt  }
0x7b: {  	_ =	shalt  }
0x7c: {  	_ =	shalt  }
0x7d: {  	_ =	shalt  }
0x7e: {  	_ =	shalt  }
0x7f: {  	_ =	shalt  }
0x80: {  	_ =	shalt  }
0x81: {  	_ =	shalt  }
0x82: {  	_ =	shalt  }
0x83: {  	_ =	shalt  }
0x84: {  	_ =	shalt  }
0x85: {  	_ =	shalt  }
0x86: {  	_ =	shalt  }
0x87: {  	_ =	shalt  }
.Lfunc_end0:
.L_simem_size_0:
called_computation_lowered:
.L_overlay_start_0:
0x88: {  	s2 =	sld [smem:$0x3FD9]  }
0x89: {  	s3 =	sld [smem:$0x3FFE];
	_ =	sdelay $0x1  }
0x8a: {  	s1 =	srdreg.scid  }
0x8b: {  	s0 =	sand.u32 $0x1, s1  }
0x8c: {  	s17 =	sshll.u32 s0, $0xA;
	s2 =	sadd.s32 s3, s2  }
0x8d: {  	s2 =	sadd.s32 s2, s17  }
0x8e: {  	[smem:$0x3FC0] =	sst s2  }
0x8f: {  	_ = 	snop  }
0x90: {  	s2 =	sld [smem:$0x3FC9]  }
0x91: {  	s18 =	sld [smem:$0x3FD0];
	(tm) =	ssettm $0x1  }
0x92: {  	s4 =	sld [smem:$0x3FFB];
	_ =	sdelay $0x3  }
0x93: {  	_ =	strace s4  }
0x94: {  	s4 =	sld [smem:$0x3FFC];
	_ =	sdelay $0x3  }
0x95: {  	_ =	strace s4  }
0x96: {  	s4 =	sld [smem:$0x3FFD];
	_ =	sdelay $0x3  }
0x97: {  	_ =	strace s4  }
0x98: {  	_ =	strace $0x8FFFFFFF  }
0x99: {  	s19 =	sld [smem:$0x3FDB];
	_ =	sdelay $0x1  }
0x9a: {  	s5 =	simm.s32 $_scs_section_size  }
0x9b: {  	s6 =	simm.s32 $_size__tile_overlayer_lowered;
	s7 =	simm.s32 $_tile_overlayer_lowered  }
0x9c: {  	s22 =	simm.s32 $0x1BFF;
	s21 =	sshll.u32 s7, $0x1;
	s4 =	sadd.s32 s5, s19  }
0x9d: {  	s8 =	simm.s32 $0x0;
	s20 =	sshll.u32 s6, $0x1;
	s6 =	sadd.s32 s21, s4  }
0x9e: {  	[timem:s8], [sflag:s22] =	dma.local [hbm:s6], s20  }
0x9f: {  	_ =	swait.ge [sflag:s22], s20  }
0xa0: {  	s5 =	ssub.s32 $0x0, s20;
	[sflag:s22] =	ssyncset.done $0x0  }
0xa1: {  	[sflag:s22] =	ssyncadd.s32 s5;
	_ =	sdelay $0x1  }
0xa2: {  	s23 =	simm.s32 $0x1B8B  }
0xa3: {  	_ =	swait.ge [sflag:s23], $0x1  }
0xa4: {  	[sflag:s23] =	ssyncset.done $0x0  }
0xa5: {  	s25 =	simm.s32 $0x1B8E;
	s24 =	sld [smem:$0x3FFE];
	[sflag:s23] =	ssyncadd.s32 $0xFFFFFFFF  }
0xa6: {  	s26 =	simm.s32 $execute0_lowered;
	[smem:$0x3FD2] =	sst s25  }
0xa7: {  	s6 =	sshll.u32 s26, $0x1;
	_ =	strace $0x80000046;
	[dreg:$0x1] =	wrdreg $0xFFFFFFFF  }
0xa8: {  	s28 =	simm.s32 $_size_execute0_lowered;
	s4 =	sadd.s32 s4, s6;
	[dreg:$0x0] =	wrdreg $0x0  }
0xa9: {  	s6 =	sshll.u32 s28, $0x1;
	[dreg:$0x2] =	wrdreg s4  }
0xaa: {  	[dreg:$0x3] =	wrdreg s6  }
0xab: {  	[dreg:$0x4] =	wrdreg $0xC0  }
0xac: {  	_ =	task [dreg:s8], $0x5FFFF  }
0xad: {  	[dreg:$0x1] =	wrdreg $0xFFFFFFFF  }
0xae: {  	[dreg:$0x0] =	wrdreg $0x60  }
0xaf: {  	[dreg:$0x2] =	wrdreg s2  }
0xb0: {  	[dreg:$0x3] =	wrdreg s18  }
0xb1: {  	[dreg:$0x4] =	wrdreg s24  }
0xb2: {  	[dreg:$0x5] =	wrdreg $0xBA800  }
0xb3: {  	[dreg:$0x6] =	wrdreg $0x1FA800  }
0xb4: {  	[dreg:$0x7] =	wrdreg $0x9  }
0xb5: {  	_ =	task.clear_ibuf [dreg:s8], $0x8FFFF;
	_ =	strace $0x90000046  }
0xb6: {  	s29 =	simm.s32 $0x9;
	_ =	strace $0x80000048  }
0xb7: {  	_ =	swait.ge [sflag:s29], $0x1  }
0xb8: {  	[sflag:s29] =	ssyncadd.s32 $0xFFFFFFFF  }
0xb9: {  	_ =	strace $0x90000048  }
0xba: {  	_ =	sfence  }
0xbb: {  	s30 =	sld [smem:$0x0];
	_ =	sdelay $0x2  }
0xbc: {  	s31 =	sshll.u32 s1, $0xD;
	s1 =	sshrl.u32 s1, $0x2  }
0xbd: {  	s3 =	sand.u32 $0x4000, s31;
	s1 =	sadd.s32 s1, s30  }
0xbe: {  	s0 =	sor.u32 s3, s0;
	s1 =	sshll.u32 s1, $0x11  }
0xbf: {  	s0 =	sor.u32 s1, s0  }
0xc0: {  	s0 =	sadd.s32 $0x8F2B, s0  }
0xc1: {  	[sflag:s0] =	ssyncadd.remote.s32 $0x1  }
0xc2: {  	_ =	sfence.sel $0xFFFF  }
0xc3: {  	[dreg:$0x0] =	wrdreg $0xFFFFFFFF;
	(pc) =	sbr.abs _section_cstart, $3  }
0xc4: {  	[dreg:$0x1] =	wrdreg $0xFFFFFFFF  }
0xc5: {  	_ =	task.clear_ibuf [dreg:s8], $0x2FFFF;
	_ =	strace $0x9FFFFFFF  }
0xc6: {  	(tm) =	ssettm $0x7FFFFFFF  }
0xc7: {  	_ =	shalt  }
tec
execute0_lowered:
.L_overlay_start_1:
0x0: {  	(tag) =	ssettag $0x1  }
0x1: {  	s0 =	rddreg [dreg:$0x0]  }
0x2: {  	s2 =	rddreg [dreg:$0x1]  }
0x3: {  	s1 =	rddreg [dreg:$0x2]  }
0x4: {  	s4 =	rddreg [dreg:$0x3]  }
0x5: {  	s3 =	srdreg.scid;
	s14 =	stileid.u32  }
0x6: {  	s5 =	rddreg [dreg:$0x4];
	s7 =	simm.s32 $0x0;
	s17 =	simm.s32 $0x6  }
0x7: {  	s19 =	simm.s32 $0x9000;
	s20 =	simm.s32 $0xB800;
	s21 =	simm.s32 $0x800  }
0x8: {  	s22 =	simm.s32 $0x80;
	s28 =	simm.s32 $0x880;
	s29 =	simm.s32 $0x3  }
0x9: {  	s30 =	simm.s32 $0x100;
	s31 =	simm.s32 $0x4;
	s6 =	smul.u32 $0x14000, s14  }
0xa: {  	s3 =	sand.u32 $0x1, s3;
	[smem:$0x7FF] =	sst s7;
	s10 =	smul.u32 $0x280, s14  }
0xb: {  	s7 =	sadd.s32 $0x1A00, s1;
	s9 =	sadd.s32 $0xC000, s1;
	s13 =	smul.u32 $0x2800, s14  }
0xc: {  	s12 =	sadd.s32 $0x1800, s1;
	s25 =	sshll.u32 s14, $0x6;
	s8 =	smul.u32 $0x140000, s3  }
0xd: {  	_ =	strace $0x80000047;
	s11 =	smul.u32 $0x2800, s3;
	[dreg:$0x6] =	wrdreg s9  }
0xe: {  	s9 =	sadd.s32 $0xBA00, s1;
	[dreg:$0x7] =	wrdreg s12;
	s23 =	ssub.s32 $0x2, s3  }
0xf: {  	p0 =	seq.s32 s3, $0x0;
	s3 =	simm.s32 $0x5;
	s24 =	sshrl.u32 s23, $0x1  }
0x10: {  	s12 =	sadd.s32 $0x28000, s13;
	s26 =	sadd.s32 s10, s5;
	s8 =	sadd.s32 s6, s8  }
0x11: {  	s11 =	sadd.s32 s10, s11;
	s15 =	ssub.s32 s23, s24;
	s6 =	sadd.s32 s6, s4  }
0x12: {  	s12 =	smov.u32 @p0 s13;
	s18 =	sshrl.u32 s26, $0x3;
	s23 =	simm.s32 $0x1000  }
.Ltmp0:
0x13: {  	s24 =	simm.s32 $0x5000;
	s26 =	simm.s32 $0x2;
	(pc) =	sbr.rel .LBB2_1-.Ltmp0, $4  }
0x14: {  	s8 =	sshrl.u32 s8, $0x3;
	s11 =	sshrl.u32 s11, $0x3;
	s15 =	smax.u32 s15, $0x1  }
0x15: {  	s16 =	sshrl.u32 s6, $0x3;
	s8 =	sadd.s32 s8, s1;
	s1 =	sadd.s32 s11, s1  }
0x16: {  	s11 =	sor.u32 $0x1C06, s25;
	s25 =	simm.s32 $0x1;
	s8 =	sadd.s32 $0xF200, s8  }
0x17: {  	v0 =	vimm.f32 $1.000000000e+00;
	s14 =	sadd.s32 $0xE800, s1;
	s1 =	simm.s32 $0x0;
	[dreg:$0x8] =	wrdreg s8  }
.LBB2_6:
0x18: {  	[spmem:s5] =	stream.indirect.scatter.add.f32 [tilespmem:s19], [sflag:$0x5], $0x10, s20, s22, $0xb8;
	[tilespmem:$0x1FD00] =	vst v63  }
0x19: {  	s6 =	simm.s32 $0xB880;
	s8 =	simm.s32 $0x9800  }
0x1a: {  	[spmem:s5] =	stream.indirect.scatter.add.f32 [tilespmem:s8], [sflag:$0x5], $0x10, s6, s22, $0xb8;
	[tilespmem:$0x1FD00] =	vst v63  }
0x1b: {  	s10 =	simm.s32 $0xB900;
	s13 =	simm.s32 $0xA000  }
0x1c: {  	[spmem:s5] =	stream.indirect.scatter.add.f32 [tilespmem:s13], [sflag:$0x5], $0x10, s10, s22, $0xb8;
	[tilespmem:$0x1FD00] =	vst v63  }
0x1d: {  	s10 =	simm.s32 $0xB980;
	s13 =	simm.s32 $0xA800  }
0x1e: {  	[spmem:s5] =	stream.indirect.scatter.add.f32 [tilespmem:s13], [sflag:$0x5], $0x10, s10, s22, $0xb8;
	[tilespmem:$0x1FD00] =	vst v63  }
0x1f: {  	s8 =	simm.s32 $0xBA00;
	s10 =	simm.s32 $0xB000  }
0x20: {  	[spmem:s5] =	stream.indirect.scatter.add.f32 [tilespmem:s10], [sflag:$0x5], $0x10, s8, s22, $0xb8;
	[tilespmem:$0x1FD00] =	vst v63  }
0x21: {  	_ =	swait.ge [sflag:s3], $0x800  }
0x22: {  	[sflag:s3] =	ssyncset.done $0x0  }
0x23: {  	[sflag:s3] =	ssyncadd.s32 $0xFFFFF800  }
0x24: {  	_ =	swait.ge [sflag:s3], $0x800  }
0x25: {  	[sflag:s3] =	ssyncset.done $0x0  }
0x26: {  	[sflag:s3] =	ssyncadd.s32 $0xFFFFF800  }
0x27: {  	_ =	swait.ge [sflag:s3], $0x800  }
0x28: {  	[sflag:s3] =	ssyncset.done $0x0  }
0x29: {  	[sflag:s3] =	ssyncadd.s32 $0xFFFFF800  }
0x2a: {  	_ =	swait.ge [sflag:s3], $0x800  }
0x2b: {  	[sflag:s3] =	ssyncset.done $0x0  }
0x2c: {  	[sflag:s3] =	ssyncadd.s32 $0xFFFFF800  }
0x2d: {  	_ =	swait.ge [sflag:s3], $0x800  }
0x2e: {  	[sflag:s3] =	ssyncset.done $0x0  }
0x2f: {  	[sflag:s3] =	ssyncadd.s32 $0xFFFFF800  }
0x30: {  	[bflag:$0x0] =	sbarrier.arrive $0xFFFF  }
0x31: {  	s13 =	rddreg [dreg:$0x8]  }
0x32: {  	[hbm:s13], [sflag:s11] =	dma.local [spmem:s16], $0x2800  }
0x33: {  	s1 =	sadd.s32 $0x1, s1;
	_ =	swait.ge [sflag:s17], $0x2800  }
0x34: {  	p0 =	sne.s32 s1, s15;
	[sflag:s17] =	ssyncset.done $0x0  }
.Ltmp1:
0x35: {  	[sflag:s17] =	ssyncadd.s32 $0xFFFFD800;
	(pc) =	sbr.rel @!p0 .LBB2_7-.Ltmp1, $4  }
0x36: {  	[hbm:s14], [sflag:s11] =	dma.local [spmem:s18], $0x50  }
0x37: {  	_ =	swait.ge [sflag:s17], $0x50  }
0x38: {  	[sflag:s17] =	ssyncset.done $0x0  }
0x39: {  	[sflag:s17] =	ssyncadd.s32 $0xFFFFFFB0  }
.LBB2_1:
0x3a: {  	s6 =	rddreg [dreg:$0x6]  }
0x3b: {  	[spmem:s16], [sflag:s11] =	dma.local [hbm:s6], $0x2800  }
0x3c: {  	_ =	swait.ge [sflag:s17], $0x2800  }
0x3d: {  	[sflag:s17] =	ssyncset.done $0x0  }
0x3e: {  	[sflag:s17] =	ssyncadd.s32 $0xFFFFD800  }
0x3f: {  	[spmem:s18], [sflag:s11] =	dma.local [hbm:s9], $0x50  }
0x40: {  	_ =	swait.ge [sflag:s17], $0x50  }
0x41: {  	[sflag:s17] =	ssyncset.done $0x0  }
0x42: {  	s13 =	simm.s32 $0x0;
	[sflag:s17] =	ssyncadd.s32 $0xFFFFFFB0  }
0x43: {  	[tilespmem:s19], [sflag:$0x6] =	stream.linear.gather [hbm4b:s9+s13], $0x2800, $0x38;
	[tilespmem:$0x1FD00] =	vst v63  }
0x44: {  	_ =	swait.ge [sflag:s17], $0x2800  }
0x45: {  	[sflag:s17] =	ssyncset.done $0x0  }
0x46: {  	s8 =	rddreg [dreg:$0x7];
	[sflag:s17] =	ssyncadd.s32 $0xFFFFD800  }
0x47: {  	[tilespmem:s20], [sflag:$0x6] =	stream.linear.gather [hbm4b:s8+s13], $0x280, $0x38;
	[tilespmem:$0x1FD00] =	vst v63  }
.Ltmp2:
0x48: {  	_ =	swait.ge [sflag:s17], $0x280;
	(pc) =	sbr.rel .LBB2_2-.Ltmp2, $4  }
0x49: {  	[sflag:s17] =	ssyncset.done $0x0  }
0x4a: {  	[sflag:s17] =	ssyncadd.s32 $0xFFFFFD80  }
0x4b: {  	[bflag:$0x0] =	sbarrier.arrive $0xFFFF  }
0x4c: {  	s6 =	simm.s32 $0x0  }
.LBB2_5:
0x4d: {  	s6 =	sadd.s32 $0x1, s6  }
0x4e: {  	p0 =	sne.s32 s6, $0x5  }
.Ltmp3:
0x4f: {  	_ = 	snop;
	(pc) =	sbr.rel @!p0 .LBB2_6-.Ltmp3, $4  }
0x50: {  	_ = 	snop  }
0x51: {  	_ =	swait.ge [sflag:s31], $0x4000  }
0x52: {  	[sflag:s31] =	ssyncset.done $0x0  }
0x53: {  	[sflag:s31] =	ssyncadd.s32 $0xFFFFC000  }
.LBB2_2:
0x54: {  	s8 =	sshll.u32 s6, $0xB  }
0x55: {  	s8 =	sadd.s32 s12, s8  }
0x56: {  	s10 =	sshrl.u32 s8, $0x3  }
0x57: {  	s8 =	simm.s32 $0x0;
	s13 =	sadd.s32 s2, s10  }
0x58: {  	[tilespmem:s8], [sflag:$0x6] =	stream.linear.gather [hbm4b:s13+s8], $0x800, $0x38;
	[tilespmem:$0x1FD00] =	vst v63  }
0x59: {  	_ =	swait.ge [sflag:s17], $0x800  }
0x5a: {  	[sflag:s17] =	ssyncset.done $0x0  }
0x5b: {  	s10 =	sadd.s32 s7, s10;
	[sflag:s17] =	ssyncadd.s32 $0xFFFFF800  }
0x5c: {  	[tilespmem:s21], [sflag:$0x6] =	stream.linear.gather [hbm4b:s10+s8], $0x800, $0x38;
	[tilespmem:$0x1FD00] =	vst v63  }
0x5d: {  	_ =	swait.ge [sflag:s17], $0x800  }
0x5e: {  	[sflag:s17] =	ssyncset.done $0x0  }
0x5f: {  	[sflag:s17] =	ssyncadd.s32 $0xFFFFF800  }
0x60: {  	[tilespmem:s23], [sflag:$0x1] =	stream.indirect.gather [hbm4b:s0+s22], $0x80, s8, s22, $0xb8;
	[tilespmem:$0x1FD00] =	vst v63  }
0x61: {  	_ = 	snop  }
0x62: {  	[tilespmem:s24], [sflag:$0x2] =	stream.indirect.gather [hbm4b:s0+s22], $0x80, s22, s22, $0xb8;
	[tilespmem:$0x1FD00] =	vst v63  }
0x63: {  	v1 =	vld [tilespmem:$0x800];
	_ =	sdelay $0x7  }
0x64: {  	[tilespmem:v1+s19+$0x0] =	vst.idx.add.f32.msk $0xffff, v0  }
0x65: {  	v1 =	vld [tilespmem:$0x810];
	_ =	sdelay $0x7  }
0x66: {  	[tilespmem:v1+s19+$0x0] =	vst.idx.add.f32.msk $0xffff, v0  }
0x67: {  	v1 =	vld [tilespmem:$0x820];
	_ =	sdelay $0x7  }
0x68: {  	[tilespmem:v1+s19+$0x0] =	vst.idx.add.f32.msk $0xffff, v0  }
0x69: {  	v1 =	vld [tilespmem:$0x830];
	_ =	sdelay $0x7  }
0x6a: {  	[tilespmem:v1+s19+$0x0] =	vst.idx.add.f32.msk $0xffff, v0  }
0x6b: {  	v1 =	vld [tilespmem:$0x840];
	_ =	sdelay $0x7  }
0x6c: {  	[tilespmem:v1+s19+$0x0] =	vst.idx.add.f32.msk $0xffff, v0  }
0x6d: {  	v1 =	vld [tilespmem:$0x850];
	_ =	sdelay $0x7  }
0x6e: {  	[tilespmem:v1+s19+$0x0] =	vst.idx.add.f32.msk $0xffff, v0  }
0x6f: {  	v1 =	vld [tilespmem:$0x860];
	_ =	sdelay $0x7  }
0x70: {  	[tilespmem:v1+s19+$0x0] =	vst.idx.add.f32.msk $0xffff, v0  }
0x71: {  	v1 =	vld [tilespmem:$0x870];
	_ =	sdelay $0x7  }
0x72: {  	[tilespmem:v1+s19+$0x0] =	vst.idx.add.f32.msk $0xffff, v0  }
0x73: {  	_ =	swait.ge [sflag:s25], $0x4000  }
0x74: {  	[sflag:s25] =	ssyncset.done $0x0  }
0x75: {  	[sflag:s25] =	ssyncadd.s32 $0xFFFFC000  }
0x76: {  	[spmem:s4] =	stream.indirect.scatter.add.f32 [tilespmem:s23], [sflag:$0x3], $0x80, s21, s22, $0xb8;
	[tilespmem:$0x1FD00] =	vst v63  }
0x77: {  	v1 =	vld [tilespmem:$0x880];
	_ =	sdelay $0x7  }
0x78: {  	[tilespmem:v1+s19+$0x0] =	vst.idx.add.f32.msk $0xffff, v0  }
0x79: {  	v1 =	vld [tilespmem:$0x890];
	_ =	sdelay $0x7  }
0x7a: {  	[tilespmem:v1+s19+$0x0] =	vst.idx.add.f32.msk $0xffff, v0  }
0x7b: {  	v1 =	vld [tilespmem:$0x8A0];
	_ =	sdelay $0x7  }
0x7c: {  	[tilespmem:v1+s19+$0x0] =	vst.idx.add.f32.msk $0xffff, v0  }
0x7d: {  	v1 =	vld [tilespmem:$0x8B0];
	_ =	sdelay $0x7  }
0x7e: {  	[tilespmem:v1+s19+$0x0] =	vst.idx.add.f32.msk $0xffff, v0  }
0x7f: {  	v1 =	vld [tilespmem:$0x8C0];
	_ =	sdelay $0x7  }
0x80: {  	[tilespmem:v1+s19+$0x0] =	vst.idx.add.f32.msk $0xffff, v0  }
0x81: {  	v1 =	vld [tilespmem:$0x8D0];
	_ =	sdelay $0x7  }
0x82: {  	[tilespmem:v1+s19+$0x0] =	vst.idx.add.f32.msk $0xffff, v0  }
0x83: {  	v1 =	vld [tilespmem:$0x8E0];
	_ =	sdelay $0x7  }
0x84: {  	[tilespmem:v1+s19+$0x0] =	vst.idx.add.f32.msk $0xffff, v0  }
0x85: {  	v1 =	vld [tilespmem:$0x8F0];
	_ =	sdelay $0x7  }
0x86: {  	[tilespmem:v1+s19+$0x0] =	vst.idx.add.f32.msk $0xffff, v0  }
0x87: {  	_ =	swait.ge [sflag:s26], $0x4000  }
0x88: {  	[sflag:s26] =	ssyncset.done $0x0  }
0x89: {  	[sflag:s26] =	ssyncadd.s32 $0xFFFFC000  }
0x8a: {  	[spmem:s4] =	stream.indirect.scatter.add.f32 [tilespmem:s24], [sflag:$0x4], $0x80, s28, s22, $0xb8;
	[tilespmem:$0x1FD00] =	vst v63  }
0x8b: {  	_ =	swait.ge [sflag:s29], $0x4000  }
0x8c: {  	[sflag:s29] =	ssyncset.done $0x0  }
0x8d: {  	[sflag:s29] =	ssyncadd.s32 $0xFFFFC000  }
0x8e: {  	[tilespmem:s23], [sflag:$0x1] =	stream.indirect.gather [hbm4b:s0+s22], $0x80, s30, s22, $0xb8;
	[tilespmem:$0x1FD00] =	vst v63  }
.LBB2_3:
0x8f: {  	_ =	swait.ge [sflag:s31], $0x4000  }
0x90: {  	s10 =	sshra.s32 s8, $0x2;
	[sflag:s31] =	ssyncset.done $0x0  }
0x91: {  	s13 =	sadd.s32 $0x180, s10;
	[sflag:s31] =	ssyncadd.s32 $0xFFFFC000  }
0x92: {  	[tilespmem:s24], [sflag:$0x2] =	stream.indirect.gather [hbm4b:s0+s22], $0x80, s13, s22, $0xb8;
	[tilespmem:$0x1FD00] =	vst v63  }
0x93: {  	v1 =	vld [tilespmem:s10+$0x900];
	_ =	sdelay $0x7  }
0x94: {  	[tilespmem:v1+s19+$0x0] =	vst.idx.add.f32.msk $0xffff, v0  }
0x95: {  	v1 =	vld [tilespmem:s10+$0x910];
	_ =	sdelay $0x7  }
0x96: {  	[tilespmem:v1+s19+$0x0] =	vst.idx.add.f32.msk $0xffff, v0  }
0x97: {  	v1 =	vld [tilespmem:s10+$0x920];
	_ =	sdelay $0x7  }
0x98: {  	[tilespmem:v1+s19+$0x0] =	vst.idx.add.f32.msk $0xffff, v0  }
0x99: {  	v1 =	vld [tilespmem:s10+$0x930];
	_ =	sdelay $0x7  }
0x9a: {  	[tilespmem:v1+s19+$0x0] =	vst.idx.add.f32.msk $0xffff, v0  }
0x9b: {  	v1 =	vld [tilespmem:s10+$0x940];
	_ =	sdelay $0x7  }
0x9c: {  	[tilespmem:v1+s19+$0x0] =	vst.idx.add.f32.msk $0xffff, v0  }
0x9d: {  	v1 =	vld [tilespmem:s10+$0x950];
	_ =	sdelay $0x7  }
0x9e: {  	[tilespmem:v1+s19+$0x0] =	vst.idx.add.f32.msk $0xffff, v0  }
0x9f: {  	v1 =	vld [tilespmem:s10+$0x960];
	_ =	sdelay $0x7  }
0xa0: {  	[tilespmem:v1+s19+$0x0] =	vst.idx.add.f32.msk $0xffff, v0  }
0xa1: {  	v1 =	vld [tilespmem:s10+$0x970];
	_ =	sdelay $0x7  }
0xa2: {  	[tilespmem:v1+s19+$0x0] =	vst.idx.add.f32.msk $0xffff, v0  }
0xa3: {  	_ =	swait.ge [sflag:s25], $0x4000  }
0xa4: {  	[sflag:s25] =	ssyncset.done $0x0  }
0xa5: {  	s13 =	sadd.s32 $0x900, s10;
	[sflag:s25] =	ssyncadd.s32 $0xFFFFC000  }
0xa6: {  	[spmem:s4] =	stream.indirect.scatter.add.f32 [tilespmem:s23], [sflag:$0x3], $0x80, s13, s22, $0xb8;
	[tilespmem:$0x1FD00] =	vst v63  }
0xa7: {  	v1 =	vld [tilespmem:s10+$0x980];
	_ =	sdelay $0x7  }
0xa8: {  	[tilespmem:v1+s19+$0x0] =	vst.idx.add.f32.msk $0xffff, v0  }
0xa9: {  	v1 =	vld [tilespmem:s10+$0x990];
	_ =	sdelay $0x7  }
0xaa: {  	[tilespmem:v1+s19+$0x0] =	vst.idx.add.f32.msk $0xffff, v0  }
0xab: {  	v1 =	vld [tilespmem:s10+$0x9A0];
	_ =	sdelay $0x7  }
0xac: {  	[tilespmem:v1+s19+$0x0] =	vst.idx.add.f32.msk $0xffff, v0  }
0xad: {  	v1 =	vld [tilespmem:s10+$0x9B0];
	_ =	sdelay $0x7  }
0xae: {  	[tilespmem:v1+s19+$0x0] =	vst.idx.add.f32.msk $0xffff, v0  }
0xaf: {  	v1 =	vld [tilespmem:s10+$0x9C0];
	_ =	sdelay $0x7  }
0xb0: {  	[tilespmem:v1+s19+$0x0] =	vst.idx.add.f32.msk $0xffff, v0  }
0xb1: {  	v1 =	vld [tilespmem:s10+$0x9D0];
	_ =	sdelay $0x7  }
0xb2: {  	[tilespmem:v1+s19+$0x0] =	vst.idx.add.f32.msk $0xffff, v0  }
0xb3: {  	v1 =	vld [tilespmem:s10+$0x9E0];
	_ =	sdelay $0x7  }
0xb4: {  	[tilespmem:v1+s19+$0x0] =	vst.idx.add.f32.msk $0xffff, v0  }
0xb5: {  	v1 =	vld [tilespmem:s10+$0x9F0];
	_ =	sdelay $0x7  }
0xb6: {  	[tilespmem:v1+s19+$0x0] =	vst.idx.add.f32.msk $0xffff, v0  }
0xb7: {  	_ =	swait.ge [sflag:s26], $0x4000  }
0xb8: {  	p0 =	seq.s32 s8, $0x1800;
	[sflag:s26] =	ssyncset.done $0x0  }
.Ltmp4:
0xb9: {  	s13 =	sadd.s32 $0x980, s10;
	[sflag:s26] =	ssyncadd.s32 $0xFFFFC000;
	(pc) =	sbr.rel @p0 .LBB2_5-.Ltmp4, $4  }
0xba: {  	[spmem:s4] =	stream.indirect.scatter.add.f32 [tilespmem:s24], [sflag:$0x4], $0x80, s13, s22, $0xb8;
	[tilespmem:$0x1FD00] =	vst v63  }
0xbb: {  	_ =	swait.ge [sflag:s29], $0x4000  }
0xbc: {  	[sflag:s29] =	ssyncset.done $0x0  }
0xbd: {  	[sflag:s29] =	ssyncadd.s32 $0xFFFFC000  }
.Ltmp5:
0xbe: {  	(pc) =	sbr.rel .LBB2_3-.Ltmp5, $3  }
0xbf: {  	_ =	sdelay $0x1  }
0xc0: {  	s10 =	sadd.s32 $0x200, s10;
	s8 =	sadd.s32 $0x400, s8  }
0xc1: {  	[tilespmem:s23], [sflag:$0x1] =	stream.indirect.gather [hbm4b:s0+s22], $0x80, s10, s22, $0xb8;
	[tilespmem:$0x1FD00] =	vst v63  }
.LBB2_7:
0xc2: {  	_ =	sfence.sel $0x180000  }
0xc3: {  	[bflag:$0x0] =	sbarrier.arrive $0xFFFF  }
0xc4: {  	_ =	strace $0x90000047  }
0xc5: {  	s0 =	stileid.u32;
	[bflag:$0x2] =	sbarrier.arrive $0xFFFF  }
0xc6: {  	p0 =	sne.s32 s0, $0x0;
	s0 =	rddreg [dreg:$0x5]  }
0xc7: {  	s0 =	sadd.s32 @!p0 $0x100000, s0  }
0xc8: {  	[sflag:s0] =	ssyncadd.tile.s32 @!p0 $0x1;
	_ =	shalt  }
.Lfunc_end2:
_tile_overlayer_lowered:
.L_overlay_start_2:
0xc9: {  	(tag) =	ssettag $0x2  }
0xca: {  	s0 =	rddreg [dreg:$0x0];
	s2 =	stileid.u32  }
0xcb: {  	s1 =	rddreg [dreg:$0x1];
	p0 =	sne.s32 s2, $0x0  }
0xcc: {  	s3 =	rddreg [dreg:$0x2];
	[bflag:$0x3] =	sbarrier.arrive $0xFFFF;
	s2 =	simm.s32 @!p0 $0x1C06  }
0xcd: {  	[timem:s3], [sflag:s2] =	dma.local @!p0 [hbm:s0], s1  }
0xce: {  	s0 =	simm.s32 @!p0 $0x6  }
0xcf: {  	_ =	swait.ge @!p0 [sflag:s0], s1  }
0xd0: {  	s1 =	ssub.s32 @!p0 $0x0, s1;
	[sflag:s0] =	ssyncset.done @!p0 $0x0  }
0xd1: {  	[sflag:s0] =	ssyncadd.s32 @!p0 s1  }
0xd2: {  	[bflag:$0x3] =	sbarrier.arrive $0xFFFF  }
0xd3: {  	_ =	shalt  }

</sc_bundles>
